<compile_context>
chip_gen: v7x
topology: tpu7x:2x2x1
jax: 0.10.2.dev20260603
libtpu: 0.0.44.dev20260713+nightly
codegen_flags: <defaults>
</compile_context>

<pallas_src>
import functools

import jax
import jax.numpy as jnp
from jax import lax
from jax.experimental import pallas as pl
from jax.experimental.pallas import tpu as pltpu
from jax.experimental.pallas import tpu_sc as plsc

V = 100000
E = 128
D = 128
H = 100
HP = 128
LBL = 104
B = 64
L = 50
NSLOT = 9
NNODE = B * L
NROWS = NSLOT * NNODE


def _ceil_to(x, m):
    return (x + m - 1) // m * m


def _chunk_sizes(total, chunk):
    sizes = [chunk] * (total // chunk)
    if total % chunk:
        sizes.append(total % chunk)
    return sizes


def _sc_gather(idx_pad, table):
    info = plsc.get_sparse_core_info()
    nc, ns = info.num_cores, info.num_subcores
    npad = idx_pad.shape[0]
    r0 = 1200
    r1 = npad // ns - r0
    chunk = 128
    bufrows = max(r1, 5 * chunk)
    nb = bufrows // chunk

    mesh = plsc.VectorSubcoreMesh(core_axis_name="c", subcore_axis_name="s")

    @functools.partial(
        pl.kernel,
        mesh=mesh,
        out_type=jax.ShapeDtypeStruct((npad, E), jnp.float32),
        scratch_types=[
            pltpu.VMEM((r0,), jnp.int32),
            pltpu.VMEM((bufrows, E), jnp.float32),
        ] + [pltpu.SemaphoreType.DMA] * (max(nb, -(-r1 // chunk)) + nb + 1),
    )
    def gather_kernel(idx_hbm, table_hbm, out_hbm, idx_v, buf_v, *sems):
        ng = max(nb, -(-r1 // chunk))
        gsems, ssems = sems[:ng], sems[ng:ng + nb]
        st_sem = sems[ng + nb]
        sid = lax.axis_index("s")
        cid = lax.axis_index("c")

        sizes = _chunk_sizes(r0, chunk)
        n = len(sizes)

        @pl.when(cid == 0)
        def _():
            base = sid * r0
            pltpu.sync_copy(idx_hbm.at[pl.ds(base, r0)], idx_v)
            gcp = {}
            scp = {}
            for c in range(min(nb, n)):
                gcp[c] = pltpu.async_copy(
                    table_hbm.at[idx_v.at[pl.ds(c * chunk, sizes[c])]],
                    buf_v.at[pl.ds((c % nb) * chunk, sizes[c])], gsems[c % nb])
            for c in range(n):
                b = c % nb
                j = c - 1 + nb
                if c > 0 and j < n:
                    scp[c - 1].wait()
                    gcp[j] = pltpu.async_copy(
                        table_hbm.at[idx_v.at[pl.ds(j * chunk, sizes[j])]],
                        buf_v.at[pl.ds((j % nb) * chunk, sizes[j])], gsems[j % nb])
                gcp[c].wait()
                scp[c] = pltpu.async_copy(
                    buf_v.at[pl.ds(b * chunk, sizes[c])],
                    out_hbm.at[pl.ds(base + c * chunk, sizes[c])], ssems[b])
            for c in range(max(n - nb, 0), n):
                scp[c].wait()

        sizes1 = _chunk_sizes(r1, chunk)
        n1 = len(sizes1)

        @pl.when(cid == 1)
        def _():
            base = ns * r0 + sid * r1
            pltpu.sync_copy(idx_hbm.at[pl.ds(base, r1)], idx_v.at[pl.ds(0, r1)])
            gcp = {}
            for c in range(n1):
                gcp[c] = pltpu.async_copy(
                    table_hbm.at[idx_v.at[pl.ds(c * chunk, sizes1[c])]],
                    buf_v.at[pl.ds(c * chunk, sizes1[c])], gsems[c])
            scp = {}
            for c in range(n1):
                gcp[c].wait()
                scp[c] = pltpu.async_copy(
                    buf_v.at[pl.ds(c * chunk, sizes1[c])],
                    out_hbm.at[pl.ds(base + c * chunk, sizes1[c])], st_sem)
            for c in range(n1):
                scp[c].wait()

    return gather_kernel(idx_pad, table)


def _dot_t(x, w):
    return lax.dot_general(x, w, (((1,), (1,)), ((), ())),
                           preferred_element_type=jnp.float32)


def _tc_body(g_ref, wc_ref, bc_ref,
             wihf_ref, whhf_ref, bihf_ref, bhhf_ref,
             wihb_ref, whhb_ref, bihb_ref, bhhb_ref,
             wout_ref, bout_ref,
             feat_ref, out_ref,
             gif_ref, gib_ref, ysf_ref, ysb_ref):
    bc = bc_ref[...]
    wc = wc_ref[...]
    total = None
    mx = None
    for s in range(NSLOT):
        g = g_ref[s * NNODE:(s + 1) * NNODE, :].astype(jnp.bfloat16)
        enc = _dot_t(g, wc) + bc
        if s == 0:
            total = enc
        else:
            total = total + enc
            mx = enc if s == 1 else jnp.maximum(mx, enc)
    encodes = jnp.maximum(total, mx)

    enc_bf = encodes.astype(jnp.bfloat16)
    gif = _dot_t(enc_bf, wihf_ref[...]) + bihf_ref[...]
    gib = _dot_t(enc_bf, wihb_ref[...]) + bihb_ref[...]
    gif_ref[...] = gif.reshape(L, B, 3 * HP)
    gib_ref[...] = gib.reshape(L, B, 3 * HP)

    whhf = whhf_ref[...]
    whhb = whhb_ref[...]
    bhhf = bhhf_ref[...]
    bhhb = bhhb_ref[...]

    def _sigmoid(x):
        return 0.5 * jnp.tanh(0.5 * x) + 0.5

    def _gru_dir(g, gh, bhn, h):
        r = _sigmoid(g[:, :HP] + gh[:, :HP])
        z = _sigmoid(g[:, HP:2 * HP] + gh[:, HP:2 * HP])
        n = jnp.tanh(g[:, 2 * HP:] + r * (gh[:, 2 * HP:] + bhn))
        return n + z * (h - n)

    def _one(t, hf, hb):
        gf = gif_ref[t]
        gb = gib_ref[L - 1 - t]
        ghf = _dot_t(hf.astype(jnp.bfloat16), whhf)
        ghb = _dot_t(hb.astype(jnp.bfloat16), whhb)
        hf = _gru_dir(gf, ghf, bhhf, hf)
        hb = _gru_dir(gb, ghb, bhhb, hb)
        ysf_ref[t] = hf
        ysb_ref[t] = hb
        return hf, hb

    def step(i, carry):
        hf, hb = carry
        hf, hb = _one(2 * i, hf, hb)
        hf, hb = _one(2 * i + 1, hf, hb)
        return hf, hb

    z = jnp.zeros((B, HP), jnp.float32)
    lax.fori_loop(0, L // 2, step, (z, z))
    mf = ysf_ref[0]
    mb = ysb_ref[0]
    for i in range(1, L):
        mf = jnp.maximum(mf, ysf_ref[i])
        mb = jnp.maximum(mb, ysb_ref[i])
    feats = jnp.concatenate([mf, mb], axis=1)
    feat_ref[...] = feats
    out_ref[...] = _dot_t(feats, wout_ref[...]) + bout_ref[...]


def _pad_gates(w, n, cols_to=None):
    w3 = w.reshape(3, n, w.shape[1])
    w3 = jnp.pad(w3, ((0, 0), (0, HP - n), (0, 0)))
    if cols_to is not None:
        w3 = jnp.pad(w3, ((0, 0), (0, 0), (0, cols_to - w3.shape[2])))
    return w3.reshape(3 * HP, -1)


def _pad_gate_bias(b):
    return jnp.pad(b.reshape(-1, H), ((0, 0), (0, HP - H))).reshape(1, -1)


def _fold_bias(bih, bhh):
    b3 = bih.reshape(3, H)
    h3 = bhh.reshape(3, H)
    folded = jnp.concatenate([b3[:2] + h3[:2], b3[2:]], axis=0)
    return _pad_gate_bias(folded.reshape(-1)), _pad_gate_bias(h3[2])


def kernel(x, emb, W_c_w, W_c_b, Wih_f, Whh_f, bih_f, bhh_f,
           Wih_b, Whh_b, bih_b, bhh_b, W_out, b_out):
    idx = jnp.transpose(x, (2, 1, 0)).reshape(-1).astype(jnp.int32)
    npad = _ceil_to(NROWS, 32 * 8)
    idx_pad = jnp.pad(idx, (0, npad - NROWS))

    gathered = _sc_gather(idx_pad, emb)

    wihf = _pad_gates(Wih_f, H).astype(jnp.bfloat16)
    wihb = _pad_gates(Wih_b, H).astype(jnp.bfloat16)
    whhf = _pad_gates(Whh_f, H, cols_to=HP).astype(jnp.bfloat16)
    whhb = _pad_gates(Whh_b, H, cols_to=HP).astype(jnp.bfloat16)
    bihf, bhhf = _fold_bias(bih_f, bhh_f)
    bihb, bhhb = _fold_bias(bih_b, bhh_b)
    wout = jnp.pad(W_out.reshape(LBL, 2, H),
                   ((0, 0), (0, 0), (0, HP - H))).reshape(LBL, 2 * HP)
    bout = b_out.reshape(1, LBL)
    bc = W_c_b.reshape(1, D)

    feats_pad, outputs = pl.pallas_call(
        _tc_body,
        out_shape=(
            jax.ShapeDtypeStruct((B, 2 * HP), jnp.float32),
            jax.ShapeDtypeStruct((B, LBL), jnp.float32),
        ),
        scratch_shapes=[
            pltpu.VMEM((L, B, 3 * HP), jnp.float32),
            pltpu.VMEM((L, B, 3 * HP), jnp.float32),
            pltpu.VMEM((L, B, HP), jnp.float32),
            pltpu.VMEM((L, B, HP), jnp.float32),
        ],
    )(gathered, W_c_w.astype(jnp.bfloat16), bc,
      wihf, whhf, bihf, bhhf,
      wihb, whhb, bihb, bhhb,
      wout, bout)

    features = jnp.concatenate(
        [feats_pad[:, :H], feats_pad[:, HP:HP + H]], axis=1)
    return (features, outputs)

# --- scband reference (transcript-rebuilt; emitter-appended) ---
"""Pipeline reference for scband-batch-program-cc-33105607918025 (READ-ONLY COPY).

The authoritative reference and input builder live on the scoring server;
editing this copy changes nothing except your own understanding.
"""

import jax, jax.numpy as jnp
import numpy as np

V = 100000
E = 128
D = 128
H = 100
LBL = 104
B = 64
L = 50
C = 8


def _gru_scan(xs, h0, Wih, Whh, bih, bhh):
    n = h0.shape[-1]
    def step(h, x_t):
        gi = x_t @ Wih.T + bih
        gh = h @ Whh.T + bhh
        r = jax.nn.sigmoid(gi[:, :n] + gh[:, :n])
        z = jax.nn.sigmoid(gi[:, n:2 * n] + gh[:, n:2 * n])
        ng = jnp.tanh(gi[:, 2 * n:] + r * gh[:, 2 * n:])
        h_new = (1.0 - z) * ng + z * h
        return h_new, h_new
    _, ys = jax.lax.scan(step, h0, xs)
    return ys


def setup_inputs(seed: int = 0):
    key = jax.random.key(seed)
    k = jax.random.split(key, 10)
    x = jax.random.randint(k[0], (B, L, 1 + C), 0, V)
    emb = jax.random.normal(k[1], (V, E), jnp.float32) * 0.02
    W_c_w = jax.random.normal(k[2], (D, E), jnp.float32) * 0.05
    W_c_b = jnp.zeros((D,), jnp.float32)
    Wih_f = jax.random.normal(k[3], (3 * H, D), jnp.float32) * 0.05
    Whh_f = jax.random.normal(k[4], (3 * H, H), jnp.float32) * 0.05
    bih_f = jnp.zeros((3 * H,), jnp.float32)
    bhh_f = jnp.zeros((3 * H,), jnp.float32)
    Wih_b = jax.random.normal(k[5], (3 * H, D), jnp.float32) * 0.05
    Whh_b = jax.random.normal(k[6], (3 * H, H), jnp.float32) * 0.05
    bih_b = jnp.zeros((3 * H,), jnp.float32)
    bhh_b = jnp.zeros((3 * H,), jnp.float32)
    W_out = jax.random.normal(k[7], (LBL, 2 * H), jnp.float32) * 0.05
    b_out = jnp.zeros((LBL,), jnp.float32)
    return {"x": x, "emb": emb, "W_c_w": W_c_w, "W_c_b": W_c_b, "Wih_f": Wih_f, "Whh_f": Whh_f, "bih_f": bih_f, "bhh_f": bhh_f, "Wih_b": Wih_b, "Whh_b": Whh_b, "bih_b": bih_b, "bhh_b": bhh_b, "W_out": W_out, "b_out": b_out}


def reference(x, emb, W_c_w, W_c_b, Wih_f, Whh_f, bih_f, bhh_f, Wih_b, Whh_b, bih_b, bhh_b, W_out, b_out):
    Bn, Ln, T = x.shape
    flat = x.reshape(Bn * Ln, T)
    root = flat[:, 0]
    children = flat[:, 1:]
    # BatchTreeEncoder.traverse_mul on depth-2 trees:
    # each recursion level computes W_c(embedding(nodes)) and scatters into batch_node,
    # parent adds scattered child encodings; final tree code = max over node_list stack.
    root_enc = jnp.take(emb, root, axis=0) @ W_c_w.T + W_c_b
    child_emb = jnp.take(emb, children.reshape(-1), axis=0).reshape(Bn * Ln, T - 1, E)
    child_enc = child_emb @ W_c_w.T + W_c_b
    mask = (children >= 0)[..., None].astype(child_enc.dtype)
    child_enc = child_enc * mask
    total = root_enc + child_enc.sum(axis=1)
    cand = jnp.concatenate([total[:, None, :], child_enc], axis=1)
    encodes = cand.max(axis=1)
    encodes = encodes.reshape(Bn, Ln, D)
    # bidirectional GRU (PyTorch gate order r,z,n), h0 = zeros
    xs = jnp.transpose(encodes, (1, 0, 2))
    h0 = jnp.zeros((Bn, H), encodes.dtype)
    ys_f = _gru_scan(xs, h0, Wih_f, Whh_f, bih_f, bhh_f)
    ys_b = _gru_scan(xs[::-1], h0, Wih_b, Whh_b, bih_b, bhh_b)[::-1]
    gru_out = jnp.concatenate([ys_f, ys_b], axis=-1)
    gru_out = jnp.transpose(gru_out, (1, 0, 2))
    # F.max_pool1d over full time axis == max over L
    features = gru_out.max(axis=1)
    outputs = features @ W_out.T + b_out
    return (features, outputs)

if __name__ == "__main__":
    import jax
    _d = setup_inputs()
    print(jax.jit(kernel)(*tuple(_d.values())))

</pallas_src>

<mosaic_0001>
#map = affine_map<(d0, d1) -> (0)>
#map1 = affine_map<(d0, d1) -> (0, 0)>
module attributes {stable_mosaic.version = 14 : i64} {
  func.func @gather_kernel(%arg0: i32, %arg1: i32, %arg2: memref<28928xi32, #tpu.memory_space<hbm>>, %arg3: memref<100000x128xf32, #tpu.memory_space<hbm>>, %arg4: memref<28928x128xf32, #tpu.memory_space<hbm>>, %arg5: memref<1200xi32, #tpu.memory_space<vmem>>, %arg6: memref<640x128xf32, #tpu.memory_space<vmem>>, %arg7: memref<!tpu.dma_semaphore, #tpu.memory_space<semaphore_mem>>, %arg8: memref<!tpu.dma_semaphore, #tpu.memory_space<semaphore_mem>>, %arg9: memref<!tpu.dma_semaphore, #tpu.memory_space<semaphore_mem>>, %arg10: memref<!tpu.dma_semaphore, #tpu.memory_space<semaphore_mem>>, %arg11: memref<!tpu.dma_semaphore, #tpu.memory_space<semaphore_mem>>, %arg12: memref<!tpu.dma_semaphore, #tpu.memory_space<semaphore_mem>>, %arg13: memref<!tpu.dma_semaphore, #tpu.memory_space<semaphore_mem>>, %arg14: memref<!tpu.dma_semaphore, #tpu.memory_space<semaphore_mem>>, %arg15: memref<!tpu.dma_semaphore, #tpu.memory_space<semaphore_mem>>, %arg16: memref<!tpu.dma_semaphore, #tpu.memory_space<semaphore_mem>>, %arg17: memref<!tpu.dma_semaphore, #tpu.memory_space<semaphore_mem>>) attributes {dimension_semantics = [#tpu.dimension_semantics<core_parallel>, #tpu.dimension_semantics<subcore_parallel>], iteration_bounds = array<i64: 2, 16>, scalar_prefetch = 0 : i64, scratch_operands = 13 : i64, tpu.core_type = #tpu.core_type<sc_vector_subcore>, window_params = [{transform_indices = #map}, {transform_indices = #map1}, {transform_indices = #map1}]} {
    %eq3A = arith.constant 0 : i32
    %eq3A_0 = arith.cmpi eq, %arg0, %eq3A : i32
    %convert_element_type3A = arith.extui %eq3A_0 : i1 to i32
    %cond3A = arith.constant 0 : i32
    %cond3A_1 = arith.cmpi ne, %convert_element_type3A, %cond3A : i32
    scf.if %cond3A_1 {
      %mul3A = arith.constant 1200 : i32
      %mul3A_7 = arith.muli %arg1, %mul3A : i32
      "tpu.region"() ({
        %run_scoped3A = tpu.sem_alloc : memref<!tpu.dma_semaphore, #tpu.memory_space<semaphore_mem>>
        %dma_start3A_385 = tpu.memref_slice %arg2[%mul3A_7] : memref<28928xi32, #tpu.memory_space<hbm>> -> memref<1200xi32, #tpu.memory_space<hbm>>
        %dma_start3A_386 = tpu.memref_slice %arg2[%mul3A_7] : memref<28928xi32, #tpu.memory_space<hbm>> -> memref<1200xi32, #tpu.memory_space<hbm>>
        tpu.enqueue_dma source(%dma_start3A_386 : memref<1200xi32, #tpu.memory_space<hbm>>) target(%arg5 : memref<1200xi32, #tpu.memory_space<vmem>>) target_semaphore(%run_scoped3A : memref<!tpu.dma_semaphore, #tpu.memory_space<semaphore_mem>>)
        %dma_wait3A_387 = tpu.memref_slice %arg2[%mul3A_7] : memref<28928xi32, #tpu.memory_space<hbm>> -> memref<1200xi32, #tpu.memory_space<hbm>>
        %dma_wait3A_388 = tpu.memref_slice %arg2[%mul3A_7] : memref<28928xi32, #tpu.memory_space<hbm>> -> memref<1200xi32, #tpu.memory_space<hbm>>
        tpu.wait_dma2 semaphore(%run_scoped3A : memref<!tpu.dma_semaphore, #tpu.memory_space<semaphore_mem>>) src(%dma_wait3A_388 : memref<1200xi32, #tpu.memory_space<hbm>>) dst(%arg5 : memref<1200xi32, #tpu.memory_space<vmem>>)
        tpu.yield
      }) : () -> ()
      %dma_start3A = arith.constant 0 : i32
      %dma_start3A_8 = arith.constant 0 : i32
      %dma_start3A_9 = tpu.memref_slice %arg6[%dma_start3A, %dma_start3A_8] : memref<640x128xf32, #tpu.memory_space<vmem>> -> memref<128x128xf32, #tpu.memory_space<vmem>>
      %dma_start3A_10 = arith.constant 0 : i32
      %dma_start3A_11 = tpu.memref_slice %arg5[%dma_start3A_10] : memref<1200xi32, #tpu.memory_space<vmem>> -> memref<128xi32, #tpu.memory_space<vmem>>
      %dma_start3A_12 = arith.constant 0 : i32
      %dma_start3A_13 = arith.constant 0 : i32
      %dma_start3A_14 = tpu.memref_slice %arg3[%dma_start3A_12, %dma_start3A_13] : memref<100000x128xf32, #tpu.memory_space<hbm>> -> memref<100000x128xf32, #tpu.memory_space<hbm>>
      tpu.enqueue_indirect_dma source(%dma_start3A_14 : memref<100000x128xf32, #tpu.memory_space<hbm>>) target(%dma_start3A_9 : memref<128x128xf32, #tpu.memory_space<vmem>>) offsets(%dma_start3A_11 : memref<128xi32, #tpu.memory_space<vmem>>) semaphore(%arg7 : memref<!tpu.dma_semaphore, #tpu.memory_space<semaphore_mem>>)
      %dma_start3A_15 = arith.constant 128 : i32
      %dma_start3A_16 = arith.constant 0 : i32
      %dma_start3A_17 = tpu.memref_slice %arg6[%dma_start3A_15, %dma_start3A_16] : memref<640x128xf32, #tpu.memory_space<vmem>> -> memref<128x128xf32, #tpu.memory_space<vmem>>
      %dma_start3A_18 = arith.constant 128 : i32
      %dma_start3A_19 = tpu.memref_slice %arg5[%dma_start3A_18] : memref<1200xi32, #tpu.memory_space<vmem>> -> memref<128xi32, #tpu.memory_space<vmem>>
      %dma_start3A_20 = arith.constant 0 : i32
      %dma_start3A_21 = arith.constant 0 : i32
      %dma_start3A_22 = tpu.memref_slice %arg3[%dma_start3A_20, %dma_start3A_21] : memref<100000x128xf32, #tpu.memory_space<hbm>> -> memref<100000x128xf32, #tpu.memory_space<hbm>>
      tpu.enqueue_indirect_dma source(%dma_start3A_22 : memref<100000x128xf32, #tpu.memory_space<hbm>>) target(%dma_start3A_17 : memref<128x128xf32, #tpu.memory_space<vmem>>) offsets(%dma_start3A_19 : memref<128xi32, #tpu.memory_space<vmem>>) semaphore(%arg8 : memref<!tpu.dma_semaphore, #tpu.memory_space<semaphore_mem>>)
      %dma_start3A_23 = arith.constant 256 : i32
      %dma_start3A_24 = arith.constant 0 : i32
      %dma_start3A_25 = tpu.memref_slice %arg6[%dma_start3A_23, %dma_start3A_24] : memref<640x128xf32, #tpu.memory_space<vmem>> -> memref<128x128xf32, #tpu.memory_space<vmem>>
      %dma_start3A_26 = arith.constant 256 : i32
      %dma_start3A_27 = tpu.memref_slice %arg5[%dma_start3A_26] : memref<1200xi32, #tpu.memory_space<vmem>> -> memref<128xi32, #tpu.memory_space<vmem>>
      %dma_start3A_28 = arith.constant 0 : i32
      %dma_start3A_29 = arith.constant 0 : i32
      %dma_start3A_30 = tpu.memref_slice %arg3[%dma_start3A_28, %dma_start3A_29] : memref<100000x128xf32, #tpu.memory_space<hbm>> -> memref<100000x128xf32, #tpu.memory_space<hbm>>
      tpu.enqueue_indirect_dma source(%dma_start3A_30 : memref<100000x128xf32, #tpu.memory_space<hbm>>) target(%dma_start3A_25 : memref<128x128xf32, #tpu.memory_space<vmem>>) offsets(%dma_start3A_27 : memref<128xi32, #tpu.memory_space<vmem>>) semaphore(%arg9 : memref<!tpu.dma_semaphore, #tpu.memory_space<semaphore_mem>>)
      %dma_start3A_31 = arith.constant 384 : i32
      %dma_start3A_32 = arith.constant 0 : i32
      %dma_start3A_33 = tpu.memref_slice %arg6[%dma_start3A_31, %dma_start3A_32] : memref<640x128xf32, #tpu.memory_space<vmem>> -> memref<128x128xf32, #tpu.memory_space<vmem>>
      %dma_start3A_34 = arith.constant 384 : i32
      %dma_start3A_35 = tpu.memref_slice %arg5[%dma_start3A_34] : memref<1200xi32, #tpu.memory_space<vmem>> -> memref<128xi32, #tpu.memory_space<vmem>>
      %dma_start3A_36 = arith.constant 0 : i32
      %dma_start3A_37 = arith.constant 0 : i32
      %dma_start3A_38 = tpu.memref_slice %arg3[%dma_start3A_36, %dma_start3A_37] : memref<100000x128xf32, #tpu.memory_space<hbm>> -> memref<100000x128xf32, #tpu.memory_space<hbm>>
      tpu.enqueue_indirect_dma source(%dma_start3A_38 : memref<100000x128xf32, #tpu.memory_space<hbm>>) target(%dma_start3A_33 : memref<128x128xf32, #tpu.memory_space<vmem>>) offsets(%dma_start3A_35 : memref<128xi32, #tpu.memory_space<vmem>>) semaphore(%arg10 : memref<!tpu.dma_semaphore, #tpu.memory_space<semaphore_mem>>)
      %dma_start3A_39 = arith.constant 512 : i32
      %dma_start3A_40 = arith.constant 0 : i32
      %dma_start3A_41 = tpu.memref_slice %arg6[%dma_start3A_39, %dma_start3A_40] : memref<640x128xf32, #tpu.memory_space<vmem>> -> memref<128x128xf32, #tpu.memory_space<vmem>>
      %dma_start3A_42 = arith.constant 512 : i32
      %dma_start3A_43 = tpu.memref_slice %arg5[%dma_start3A_42] : memref<1200xi32, #tpu.memory_space<vmem>> -> memref<128xi32, #tpu.memory_space<vmem>>
      %dma_start3A_44 = arith.constant 0 : i32
      %dma_start3A_45 = arith.constant 0 : i32
      %dma_start3A_46 = tpu.memref_slice %arg3[%dma_start3A_44, %dma_start3A_45] : memref<100000x128xf32, #tpu.memory_space<hbm>> -> memref<100000x128xf32, #tpu.memory_space<hbm>>
      tpu.enqueue_indirect_dma source(%dma_start3A_46 : memref<100000x128xf32, #tpu.memory_space<hbm>>) target(%dma_start3A_41 : memref<128x128xf32, #tpu.memory_space<vmem>>) offsets(%dma_start3A_43 : memref<128xi32, #tpu.memory_space<vmem>>) semaphore(%arg11 : memref<!tpu.dma_semaphore, #tpu.memory_space<semaphore_mem>>)
      %dma_wait3A = arith.constant 0 : i32
      %dma_wait3A_47 = arith.constant 0 : i32
      %dma_wait3A_48 = tpu.memref_slice %arg6[%dma_wait3A, %dma_wait3A_47] : memref<640x128xf32, #tpu.memory_space<vmem>> -> memref<128x128xf32, #tpu.memory_space<vmem>>
      %dma_wait3A_49 = arith.constant 0 : i32
      %dma_wait3A_50 = tpu.memref_slice %arg5[%dma_wait3A_49] : memref<1200xi32, #tpu.memory_space<vmem>> -> memref<128xi32, #tpu.memory_space<vmem>>
      %dma_wait3A_51 = arith.constant 0 : i32
      %dma_wait3A_52 = arith.constant 0 : i32
      %dma_wait3A_53 = tpu.memref_slice %arg3[%dma_wait3A_51, %dma_wait3A_52] : memref<100000x128xf32, #tpu.memory_space<hbm>> -> memref<100000x128xf32, #tpu.memory_space<hbm>>
      tpu.wait_indirect_dma semaphore(%arg7 : memref<!tpu.dma_semaphore, #tpu.memory_space<semaphore_mem>>) src(%dma_wait3A_53 : memref<100000x128xf32, #tpu.memory_space<hbm>>) dst(%dma_wait3A_48 : memref<128x128xf32, #tpu.memory_space<vmem>>)
      %add3A = arith.constant 0 : i32
      %add3A_54 = arith.addi %mul3A_7, %add3A : i32
      %dma_start3A_55 = arith.constant 0 : i32
      %dma_start3A_56 = arith.constant 0 : i32
      %dma_start3A_57 = tpu.memref_slice %arg6[%dma_start3A_55, %dma_start3A_56] : memref<640x128xf32, #tpu.memory_space<vmem>> -> memref<128x128xf32, #tpu.memory_space<vmem>>
      %dma_start3A_58 = arith.constant 0 : i32
      %dma_start3A_59 = tpu.memref_slice %arg4[%add3A_54, %dma_start3A_58] : memref<28928x128xf32, #tpu.memory_space<hbm>> -> memref<128x128xf32, #tpu.memory_space<hbm>>
      %dma_start3A_60 = arith.constant 0 : i32
      %dma_start3A_61 = tpu.memref_slice %arg4[%add3A_54, %dma_start3A_60] : memref<28928x128xf32, #tpu.memory_space<hbm>> -> memref<128x128xf32, #tpu.memory_space<hbm>>
      %dma_start3A_62 = arith.constant 0 : i32
      %dma_start3A_63 = arith.constant 0 : i32
      %dma_start3A_64 = tpu.memref_slice %arg6[%dma_start3A_62, %dma_start3A_63] : memref<640x128xf32, #tpu.memory_space<vmem>> -> memref<128x128xf32, #tpu.memory_space<vmem>>
      tpu.enqueue_dma source(%dma_start3A_64 : memref<128x128xf32, #tpu.memory_space<vmem>>) target(%dma_start3A_61 : memref<128x128xf32, #tpu.memory_space<hbm>>) target_semaphore(%arg12 : memref<!tpu.dma_semaphore, #tpu.memory_space<semaphore_mem>>)
      %dma_wait3A_65 = arith.constant 0 : i32
      %dma_wait3A_66 = arith.constant 0 : i32
      %dma_wait3A_67 = tpu.memref_slice %arg6[%dma_wait3A_65, %dma_wait3A_66] : memref<640x128xf32, #tpu.memory_space<vmem>> -> memref<128x128xf32, #tpu.memory_space<vmem>>
      %dma_wait3A_68 = arith.constant 0 : i32
      %dma_wait3A_69 = tpu.memref_slice %arg4[%add3A_54, %dma_wait3A_68] : memref<28928x128xf32, #tpu.memory_space<hbm>> -> memref<128x128xf32, #tpu.memory_space<hbm>>
      %dma_wait3A_70 = arith.constant 0 : i32
      %dma_wait3A_71 = tpu.memref_slice %arg4[%add3A_54, %dma_wait3A_70] : memref<28928x128xf32, #tpu.memory_space<hbm>> -> memref<128x128xf32, #tpu.memory_space<hbm>>
      %dma_wait3A_72 = arith.constant 0 : i32
      %dma_wait3A_73 = arith.constant 0 : i32
      %dma_wait3A_74 = tpu.memref_slice %arg6[%dma_wait3A_72, %dma_wait3A_73] : memref<640x128xf32, #tpu.memory_space<vmem>> -> memref<128x128xf32, #tpu.memory_space<vmem>>
      tpu.wait_dma2 semaphore(%arg12 : memref<!tpu.dma_semaphore, #tpu.memory_space<semaphore_mem>>) src(%dma_wait3A_74 : memref<128x128xf32, #tpu.memory_space<vmem>>) dst(%dma_wait3A_71 : memref<128x128xf32, #tpu.memory_space<hbm>>)
      %dma_start3A_75 = arith.constant 0 : i32
      %dma_start3A_76 = arith.constant 0 : i32
      %dma_start3A_77 = tpu.memref_slice %arg6[%dma_start3A_75, %dma_start3A_76] : memref<640x128xf32, #tpu.memory_space<vmem>> -> memref<128x128xf32, #tpu.memory_space<vmem>>
      %dma_start3A_78 = arith.constant 640 : i32
      %dma_start3A_79 = tpu.memref_slice %arg5[%dma_start3A_78] : memref<1200xi32, #tpu.memory_space<vmem>> -> memref<128xi32, #tpu.memory_space<vmem>>
      %dma_start3A_80 = arith.constant 0 : i32
      %dma_start3A_81 = arith.constant 0 : i32
      %dma_start3A_82 = tpu.memref_slice %arg3[%dma_start3A_80, %dma_start3A_81] : memref<100000x128xf32, #tpu.memory_space<hbm>> -> memref<100000x128xf32, #tpu.memory_space<hbm>>
      tpu.enqueue_indirect_dma source(%dma_start3A_82 : memref<100000x128xf32, #tpu.memory_space<hbm>>) target(%dma_start3A_77 : memref<128x128xf32, #tpu.memory_space<vmem>>) offsets(%dma_start3A_79 : memref<128xi32, #tpu.memory_space<vmem>>) semaphore(%arg7 : memref<!tpu.dma_semaphore, #tpu.memory_space<semaphore_mem>>)
      %dma_wait3A_83 = arith.constant 128 : i32
      %dma_wait3A_84 = arith.constant 0 : i32
      %dma_wait3A_85 = tpu.memref_slice %arg6[%dma_wait3A_83, %dma_wait3A_84] : memref<640x128xf32, #tpu.memory_space<vmem>> -> memref<128x128xf32, #tpu.memory_space<vmem>>
      %dma_wait3A_86 = arith.constant 128 : i32
      %dma_wait3A_87 = tpu.memref_slice %arg5[%dma_wait3A_86] : memref<1200xi32, #tpu.memory_space<vmem>> -> memref<128xi32, #tpu.memory_space<vmem>>
      %dma_wait3A_88 = arith.constant 0 : i32
      %dma_wait3A_89 = arith.constant 0 : i32
      %dma_wait3A_90 = tpu.memref_slice %arg3[%dma_wait3A_88, %dma_wait3A_89] : memref<100000x128xf32, #tpu.memory_space<hbm>> -> memref<100000x128xf32, #tpu.memory_space<hbm>>
      tpu.wait_indirect_dma semaphore(%arg8 : memref<!tpu.dma_semaphore, #tpu.memory_space<semaphore_mem>>) src(%dma_wait3A_90 : memref<100000x128xf32, #tpu.memory_space<hbm>>) dst(%dma_wait3A_85 : memref<128x128xf32, #tpu.memory_space<vmem>>)
      %add3A_91 = arith.constant 128 : i32
      %add3A_92 = arith.addi %mul3A_7, %add3A_91 : i32
      %dma_start3A_93 = arith.constant 128 : i32
      %dma_start3A_94 = arith.constant 0 : i32
      %dma_start3A_95 = tpu.memref_slice %arg6[%dma_start3A_93, %dma_start3A_94] : memref<640x128xf32, #tpu.memory_space<vmem>> -> memref<128x128xf32, #tpu.memory_space<vmem>>
      %dma_start3A_96 = arith.constant 0 : i32
      %dma_start3A_97 = tpu.memref_slice %arg4[%add3A_92, %dma_start3A_96] : memref<28928x128xf32, #tpu.memory_space<hbm>> -> memref<128x128xf32, #tpu.memory_space<hbm>>
      %dma_start3A_98 = arith.constant 0 : i32
      %dma_start3A_99 = tpu.memref_slice %arg4[%add3A_92, %dma_start3A_98] : memref<28928x128xf32, #tpu.memory_space<hbm>> -> memref<128x128xf32, #tpu.memory_space<hbm>>
      %dma_start3A_100 = arith.constant 128 : i32
      %dma_start3A_101 = arith.constant 0 : i32
      %dma_start3A_102 = tpu.memref_slice %arg6[%dma_start3A_100, %dma_start3A_101] : memref<640x128xf32, #tpu.memory_space<vmem>> -> memref<128x128xf32, #tpu.memory_space<vmem>>
      tpu.enqueue_dma source(%dma_start3A_102 : memref<128x128xf32, #tpu.memory_space<vmem>>) target(%dma_start3A_99 : memref<128x128xf32, #tpu.memory_space<hbm>>) target_semaphore(%arg13 : memref<!tpu.dma_semaphore, #tpu.memory_space<semaphore_mem>>)
      %dma_wait3A_103 = arith.constant 128 : i32
      %dma_wait3A_104 = arith.constant 0 : i32
      %dma_wait3A_105 = tpu.memref_slice %arg6[%dma_wait3A_103, %dma_wait3A_104] : memref<640x128xf32, #tpu.memory_space<vmem>> -> memref<128x128xf32, #tpu.memory_space<vmem>>
      %dma_wait3A_106 = arith.constant 0 : i32
      %dma_wait3A_107 = tpu.memref_slice %arg4[%add3A_92, %dma_wait3A_106] : memref<28928x128xf32, #tpu.memory_space<hbm>> -> memref<128x128xf32, #tpu.memory_space<hbm>>
      %dma_wait3A_108 = arith.constant 0 : i32
      %dma_wait3A_109 = tpu.memref_slice %arg4[%add3A_92, %dma_wait3A_108] : memref<28928x128xf32, #tpu.memory_space<hbm>> -> memref<128x128xf32, #tpu.memory_space<hbm>>
      %dma_wait3A_110 = arith.constant 128 : i32
      %dma_wait3A_111 = arith.constant 0 : i32
      %dma_wait3A_112 = tpu.memref_slice %arg6[%dma_wait3A_110, %dma_wait3A_111] : memref<640x128xf32, #tpu.memory_space<vmem>> -> memref<128x128xf32, #tpu.memory_space<vmem>>
      tpu.wait_dma2 semaphore(%arg13 : memref<!tpu.dma_semaphore, #tpu.memory_space<semaphore_mem>>) src(%dma_wait3A_112 : memref<128x128xf32, #tpu.memory_space<vmem>>) dst(%dma_wait3A_109 : memref<128x128xf32, #tpu.memory_space<hbm>>)
      %dma_start3A_113 = arith.constant 128 : i32
      %dma_start3A_114 = arith.constant 0 : i32
      %dma_start3A_115 = tpu.memref_slice %arg6[%dma_start3A_113, %dma_start3A_114] : memref<640x128xf32, #tpu.memory_space<vmem>> -> memref<128x128xf32, #tpu.memory_space<vmem>>
      %dma_start3A_116 = arith.constant 768 : i32
      %dma_start3A_117 = tpu.memref_slice %arg5[%dma_start3A_116] : memref<1200xi32, #tpu.memory_space<vmem>> -> memref<128xi32, #tpu.memory_space<vmem>>
      %dma_start3A_118 = arith.constant 0 : i32
      %dma_start3A_119 = arith.constant 0 : i32
      %dma_start3A_120 = tpu.memref_slice %arg3[%dma_start3A_118, %dma_start3A_119] : memref<100000x128xf32, #tpu.memory_space<hbm>> -> memref<100000x128xf32, #tpu.memory_space<hbm>>
      tpu.enqueue_indirect_dma source(%dma_start3A_120 : memref<100000x128xf32, #tpu.memory_space<hbm>>) target(%dma_start3A_115 : memref<128x128xf32, #tpu.memory_space<vmem>>) offsets(%dma_start3A_117 : memref<128xi32, #tpu.memory_space<vmem>>) semaphore(%arg8 : memref<!tpu.dma_semaphore, #tpu.memory_space<semaphore_mem>>)
      %dma_wait3A_121 = arith.constant 256 : i32
      %dma_wait3A_122 = arith.constant 0 : i32
      %dma_wait3A_123 = tpu.memref_slice %arg6[%dma_wait3A_121, %dma_wait3A_122] : memref<640x128xf32, #tpu.memory_space<vmem>> -> memref<128x128xf32, #tpu.memory_space<vmem>>
      %dma_wait3A_124 = arith.constant 256 : i32
      %dma_wait3A_125 = tpu.memref_slice %arg5[%dma_wait3A_124] : memref<1200xi32, #tpu.memory_space<vmem>> -> memref<128xi32, #tpu.memory_space<vmem>>
      %dma_wait3A_126 = arith.constant 0 : i32
      %dma_wait3A_127 = arith.constant 0 : i32
      %dma_wait3A_128 = tpu.memref_slice %arg3[%dma_wait3A_126, %dma_wait3A_127] : memref<100000x128xf32, #tpu.memory_space<hbm>> -> memref<100000x128xf32, #tpu.memory_space<hbm>>
      tpu.wait_indirect_dma semaphore(%arg9 : memref<!tpu.dma_semaphore, #tpu.memory_space<semaphore_mem>>) src(%dma_wait3A_128 : memref<100000x128xf32, #tpu.memory_space<hbm>>) dst(%dma_wait3A_123 : memref<128x128xf32, #tpu.memory_space<vmem>>)
      %add3A_129 = arith.constant 256 : i32
      %add3A_130 = arith.addi %mul3A_7, %add3A_129 : i32
      %dma_start3A_131 = arith.constant 256 : i32
      %dma_start3A_132 = arith.constant 0 : i32
      %dma_start3A_133 = tpu.memref_slice %arg6[%dma_start3A_131, %dma_start3A_132] : memref<640x128xf32, #tpu.memory_space<vmem>> -> memref<128x128xf32, #tpu.memory_space<vmem>>
      %dma_start3A_134 = arith.constant 0 : i32
      %dma_start3A_135 = tpu.memref_slice %arg4[%add3A_130, %dma_start3A_134] : memref<28928x128xf32, #tpu.memory_space<hbm>> -> memref<128x128xf32, #tpu.memory_space<hbm>>
      %dma_start3A_136 = arith.constant 0 : i32
      %dma_start3A_137 = tpu.memref_slice %arg4[%add3A_130, %dma_start3A_136] : memref<28928x128xf32, #tpu.memory_space<hbm>> -> memref<128x128xf32, #tpu.memory_space<hbm>>
      %dma_start3A_138 = arith.constant 256 : i32
      %dma_start3A_139 = arith.constant 0 : i32
      %dma_start3A_140 = tpu.memref_slice %arg6[%dma_start3A_138, %dma_start3A_139] : memref<640x128xf32, #tpu.memory_space<vmem>> -> memref<128x128xf32, #tpu.memory_space<vmem>>
      tpu.enqueue_dma source(%dma_start3A_140 : memref<128x128xf32, #tpu.memory_space<vmem>>) target(%dma_start3A_137 : memref<128x128xf32, #tpu.memory_space<hbm>>) target_semaphore(%arg14 : memref<!tpu.dma_semaphore, #tpu.memory_space<semaphore_mem>>)
      %dma_wait3A_141 = arith.constant 256 : i32
      %dma_wait3A_142 = arith.constant 0 : i32
      %dma_wait3A_143 = tpu.memref_slice %arg6[%dma_wait3A_141, %dma_wait3A_142] : memref<640x128xf32, #tpu.memory_space<vmem>> -> memref<128x128xf32, #tpu.memory_space<vmem>>
      %dma_wait3A_144 = arith.constant 0 : i32
      %dma_wait3A_145 = tpu.memref_slice %arg4[%add3A_130, %dma_wait3A_144] : memref<28928x128xf32, #tpu.memory_space<hbm>> -> memref<128x128xf32, #tpu.memory_space<hbm>>
      %dma_wait3A_146 = arith.constant 0 : i32
      %dma_wait3A_147 = tpu.memref_slice %arg4[%add3A_130, %dma_wait3A_146] : memref<28928x128xf32, #tpu.memory_space<hbm>> -> memref<128x128xf32, #tpu.memory_space<hbm>>
      %dma_wait3A_148 = arith.constant 256 : i32
      %dma_wait3A_149 = arith.constant 0 : i32
      %dma_wait3A_150 = tpu.memref_slice %arg6[%dma_wait3A_148, %dma_wait3A_149] : memref<640x128xf32, #tpu.memory_space<vmem>> -> memref<128x128xf32, #tpu.memory_space<vmem>>
      tpu.wait_dma2 semaphore(%arg14 : memref<!tpu.dma_semaphore, #tpu.memory_space<semaphore_mem>>) src(%dma_wait3A_150 : memref<128x128xf32, #tpu.memory_space<vmem>>) dst(%dma_wait3A_147 : memref<128x128xf32, #tpu.memory_space<hbm>>)
      %dma_start3A_151 = arith.constant 256 : i32
      %dma_start3A_152 = arith.constant 0 : i32
      %dma_start3A_153 = tpu.memref_slice %arg6[%dma_start3A_151, %dma_start3A_152] : memref<640x128xf32, #tpu.memory_space<vmem>> -> memref<128x128xf32, #tpu.memory_space<vmem>>
      %dma_start3A_154 = arith.constant 896 : i32
      %dma_start3A_155 = tpu.memref_slice %arg5[%dma_start3A_154] : memref<1200xi32, #tpu.memory_space<vmem>> -> memref<128xi32, #tpu.memory_space<vmem>>
      %dma_start3A_156 = arith.constant 0 : i32
      %dma_start3A_157 = arith.constant 0 : i32
      %dma_start3A_158 = tpu.memref_slice %arg3[%dma_start3A_156, %dma_start3A_157] : memref<100000x128xf32, #tpu.memory_space<hbm>> -> memref<100000x128xf32, #tpu.memory_space<hbm>>
      tpu.enqueue_indirect_dma source(%dma_start3A_158 : memref<100000x128xf32, #tpu.memory_space<hbm>>) target(%dma_start3A_153 : memref<128x128xf32, #tpu.memory_space<vmem>>) offsets(%dma_start3A_155 : memref<128xi32, #tpu.memory_space<vmem>>) semaphore(%arg9 : memref<!tpu.dma_semaphore, #tpu.memory_space<semaphore_mem>>)
      %dma_wait3A_159 = arith.constant 384 : i32
      %dma_wait3A_160 = arith.constant 0 : i32
      %dma_wait3A_161 = tpu.memref_slice %arg6[%dma_wait3A_159, %dma_wait3A_160] : memref<640x128xf32, #tpu.memory_space<vmem>> -> memref<128x128xf32, #tpu.memory_space<vmem>>
      %dma_wait3A_162 = arith.constant 384 : i32
      %dma_wait3A_163 = tpu.memref_slice %arg5[%dma_wait3A_162] : memref<1200xi32, #tpu.memory_space<vmem>> -> memref<128xi32, #tpu.memory_space<vmem>>
      %dma_wait3A_164 = arith.constant 0 : i32
      %dma_wait3A_165 = arith.constant 0 : i32
      %dma_wait3A_166 = tpu.memref_slice %arg3[%dma_wait3A_164, %dma_wait3A_165] : memref<100000x128xf32, #tpu.memory_space<hbm>> -> memref<100000x128xf32, #tpu.memory_space<hbm>>
      tpu.wait_indirect_dma semaphore(%arg10 : memref<!tpu.dma_semaphore, #tpu.memory_space<semaphore_mem>>) src(%dma_wait3A_166 : memref<100000x128xf32, #tpu.memory_space<hbm>>) dst(%dma_wait3A_161 : memref<128x128xf32, #tpu.memory_space<vmem>>)
      %add3A_167 = arith.constant 384 : i32
      %add3A_168 = arith.addi %mul3A_7, %add3A_167 : i32
      %dma_start3A_169 = arith.constant 384 : i32
      %dma_start3A_170 = arith.constant 0 : i32
      %dma_start3A_171 = tpu.memref_slice %arg6[%dma_start3A_169, %dma_start3A_170] : memref<640x128xf32, #tpu.memory_space<vmem>> -> memref<128x128xf32, #tpu.memory_space<vmem>>
      %dma_start3A_172 = arith.constant 0 : i32
      %dma_start3A_173 = tpu.memref_slice %arg4[%add3A_168, %dma_start3A_172] : memref<28928x128xf32, #tpu.memory_space<hbm>> -> memref<128x128xf32, #tpu.memory_space<hbm>>
      %dma_start3A_174 = arith.constant 0 : i32
      %dma_start3A_175 = tpu.memref_slice %arg4[%add3A_168, %dma_start3A_174] : memref<28928x128xf32, #tpu.memory_space<hbm>> -> memref<128x128xf32, #tpu.memory_space<hbm>>
      %dma_start3A_176 = arith.constant 384 : i32
      %dma_start3A_177 = arith.constant 0 : i32
      %dma_start3A_178 = tpu.memref_slice %arg6[%dma_start3A_176, %dma_start3A_177] : memref<640x128xf32, #tpu.memory_space<vmem>> -> memref<128x128xf32, #tpu.memory_space<vmem>>
      tpu.enqueue_dma source(%dma_start3A_178 : memref<128x128xf32, #tpu.memory_space<vmem>>) target(%dma_start3A_175 : memref<128x128xf32, #tpu.memory_space<hbm>>) target_semaphore(%arg15 : memref<!tpu.dma_semaphore, #tpu.memory_space<semaphore_mem>>)
      %dma_wait3A_179 = arith.constant 384 : i32
      %dma_wait3A_180 = arith.constant 0 : i32
      %dma_wait3A_181 = tpu.memref_slice %arg6[%dma_wait3A_179, %dma_wait3A_180] : memref<640x128xf32, #tpu.memory_space<vmem>> -> memref<128x128xf32, #tpu.memory_space<vmem>>
      %dma_wait3A_182 = arith.constant 0 : i32
      %dma_wait3A_183 = tpu.memref_slice %arg4[%add3A_168, %dma_wait3A_182] : memref<28928x128xf32, #tpu.memory_space<hbm>> -> memref<128x128xf32, #tpu.memory_space<hbm>>
      %dma_wait3A_184 = arith.constant 0 : i32
      %dma_wait3A_185 = tpu.memref_slice %arg4[%add3A_168, %dma_wait3A_184] : memref<28928x128xf32, #tpu.memory_space<hbm>> -> memref<128x128xf32, #tpu.memory_space<hbm>>
      %dma_wait3A_186 = arith.constant 384 : i32
      %dma_wait3A_187 = arith.constant 0 : i32
      %dma_wait3A_188 = tpu.memref_slice %arg6[%dma_wait3A_186, %dma_wait3A_187] : memref<640x128xf32, #tpu.memory_space<vmem>> -> memref<128x128xf32, #tpu.memory_space<vmem>>
      tpu.wait_dma2 semaphore(%arg15 : memref<!tpu.dma_semaphore, #tpu.memory_space<semaphore_mem>>) src(%dma_wait3A_188 : memref<128x128xf32, #tpu.memory_space<vmem>>) dst(%dma_wait3A_185 : memref<128x128xf32, #tpu.memory_space<hbm>>)
      %dma_start3A_189 = arith.constant 384 : i32
      %dma_start3A_190 = arith.constant 0 : i32
      %dma_start3A_191 = tpu.memref_slice %arg6[%dma_start3A_189, %dma_start3A_190] : memref<640x128xf32, #tpu.memory_space<vmem>> -> memref<128x128xf32, #tpu.memory_space<vmem>>
      %dma_start3A_192 = arith.constant 1024 : i32
      %dma_start3A_193 = tpu.memref_slice %arg5[%dma_start3A_192] : memref<1200xi32, #tpu.memory_space<vmem>> -> memref<128xi32, #tpu.memory_space<vmem>>
      %dma_start3A_194 = arith.constant 0 : i32
      %dma_start3A_195 = arith.constant 0 : i32
      %dma_start3A_196 = tpu.memref_slice %arg3[%dma_start3A_194, %dma_start3A_195] : memref<100000x128xf32, #tpu.memory_space<hbm>> -> memref<100000x128xf32, #tpu.memory_space<hbm>>
      tpu.enqueue_indirect_dma source(%dma_start3A_196 : memref<100000x128xf32, #tpu.memory_space<hbm>>) target(%dma_start3A_191 : memref<128x128xf32, #tpu.memory_space<vmem>>) offsets(%dma_start3A_193 : memref<128xi32, #tpu.memory_space<vmem>>) semaphore(%arg10 : memref<!tpu.dma_semaphore, #tpu.memory_space<semaphore_mem>>)
      %dma_wait3A_197 = arith.constant 512 : i32
      %dma_wait3A_198 = arith.constant 0 : i32
      %dma_wait3A_199 = tpu.memref_slice %arg6[%dma_wait3A_197, %dma_wait3A_198] : memref<640x128xf32, #tpu.memory_space<vmem>> -> memref<128x128xf32, #tpu.memory_space<vmem>>
      %dma_wait3A_200 = arith.constant 512 : i32
      %dma_wait3A_201 = tpu.memref_slice %arg5[%dma_wait3A_200] : memref<1200xi32, #tpu.memory_space<vmem>> -> memref<128xi32, #tpu.memory_space<vmem>>
      %dma_wait3A_202 = arith.constant 0 : i32
      %dma_wait3A_203 = arith.constant 0 : i32
      %dma_wait3A_204 = tpu.memref_slice %arg3[%dma_wait3A_202, %dma_wait3A_203] : memref<100000x128xf32, #tpu.memory_space<hbm>> -> memref<100000x128xf32, #tpu.memory_space<hbm>>
      tpu.wait_indirect_dma semaphore(%arg11 : memref<!tpu.dma_semaphore, #tpu.memory_space<semaphore_mem>>) src(%dma_wait3A_204 : memref<100000x128xf32, #tpu.memory_space<hbm>>) dst(%dma_wait3A_199 : memref<128x128xf32, #tpu.memory_space<vmem>>)
      %add3A_205 = arith.constant 512 : i32
      %add3A_206 = arith.addi %mul3A_7, %add3A_205 : i32
      %dma_start3A_207 = arith.constant 512 : i32
      %dma_start3A_208 = arith.constant 0 : i32
      %dma_start3A_209 = tpu.memref_slice %arg6[%dma_start3A_207, %dma_start3A_208] : memref<640x128xf32, #tpu.memory_space<vmem>> -> memref<128x128xf32, #tpu.memory_space<vmem>>
      %dma_start3A_210 = arith.constant 0 : i32
      %dma_start3A_211 = tpu.memref_slice %arg4[%add3A_206, %dma_start3A_210] : memref<28928x128xf32, #tpu.memory_space<hbm>> -> memref<128x128xf32, #tpu.memory_space<hbm>>
      %dma_start3A_212 = arith.constant 0 : i32
      %dma_start3A_213 = tpu.memref_slice %arg4[%add3A_206, %dma_start3A_212] : memref<28928x128xf32, #tpu.memory_space<hbm>> -> memref<128x128xf32, #tpu.memory_space<hbm>>
      %dma_start3A_214 = arith.constant 512 : i32
      %dma_start3A_215 = arith.constant 0 : i32
      %dma_start3A_216 = tpu.memref_slice %arg6[%dma_start3A_214, %dma_start3A_215] : memref<640x128xf32, #tpu.memory_space<vmem>> -> memref<128x128xf32, #tpu.memory_space<vmem>>
      tpu.enqueue_dma source(%dma_start3A_216 : memref<128x128xf32, #tpu.memory_space<vmem>>) target(%dma_start3A_213 : memref<128x128xf32, #tpu.memory_space<hbm>>) target_semaphore(%arg16 : memref<!tpu.dma_semaphore, #tpu.memory_space<semaphore_mem>>)
      %dma_wait3A_217 = arith.constant 512 : i32
      %dma_wait3A_218 = arith.constant 0 : i32
      %dma_wait3A_219 = tpu.memref_slice %arg6[%dma_wait3A_217, %dma_wait3A_218] : memref<640x128xf32, #tpu.memory_space<vmem>> -> memref<128x128xf32, #tpu.memory_space<vmem>>
      %dma_wait3A_220 = arith.constant 0 : i32
      %dma_wait3A_221 = tpu.memref_slice %arg4[%add3A_206, %dma_wait3A_220] : memref<28928x128xf32, #tpu.memory_space<hbm>> -> memref<128x128xf32, #tpu.memory_space<hbm>>
      %dma_wait3A_222 = arith.constant 0 : i32
      %dma_wait3A_223 = tpu.memref_slice %arg4[%add3A_206, %dma_wait3A_222] : memref<28928x128xf32, #tpu.memory_space<hbm>> -> memref<128x128xf32, #tpu.memory_space<hbm>>
      %dma_wait3A_224 = arith.constant 512 : i32
      %dma_wait3A_225 = arith.constant 0 : i32
      %dma_wait3A_226 = tpu.memref_slice %arg6[%dma_wait3A_224, %dma_wait3A_225] : memref<640x128xf32, #tpu.memory_space<vmem>> -> memref<128x128xf32, #tpu.memory_space<vmem>>
      tpu.wait_dma2 semaphore(%arg16 : memref<!tpu.dma_semaphore, #tpu.memory_space<semaphore_mem>>) src(%dma_wait3A_226 : memref<128x128xf32, #tpu.memory_space<vmem>>) dst(%dma_wait3A_223 : memref<128x128xf32, #tpu.memory_space<hbm>>)
      %dma_start3A_227 = arith.constant 512 : i32
      %dma_start3A_228 = arith.constant 0 : i32
      %dma_start3A_229 = tpu.memref_slice %arg6[%dma_start3A_227, %dma_start3A_228] : memref<640x128xf32, #tpu.memory_space<vmem>> -> memref<48x128xf32, #tpu.memory_space<vmem>>
      %dma_start3A_230 = arith.constant 1152 : i32
      %dma_start3A_231 = tpu.memref_slice %arg5[%dma_start3A_230] : memref<1200xi32, #tpu.memory_space<vmem>> -> memref<48xi32, #tpu.memory_space<vmem>>
      %dma_start3A_232 = arith.constant 0 : i32
      %dma_start3A_233 = arith.constant 0 : i32
      %dma_start3A_234 = tpu.memref_slice %arg3[%dma_start3A_232, %dma_start3A_233] : memref<100000x128xf32, #tpu.memory_space<hbm>> -> memref<100000x128xf32, #tpu.memory_space<hbm>>
      tpu.enqueue_indirect_dma source(%dma_start3A_234 : memref<100000x128xf32, #tpu.memory_space<hbm>>) target(%dma_start3A_229 : memref<48x128xf32, #tpu.memory_space<vmem>>) offsets(%dma_start3A_231 : memref<48xi32, #tpu.memory_space<vmem>>) semaphore(%arg11 : memref<!tpu.dma_semaphore, #tpu.memory_space<semaphore_mem>>)
      %dma_wait3A_235 = arith.constant 0 : i32
      %dma_wait3A_236 = arith.constant 0 : i32
      %dma_wait3A_237 = tpu.memref_slice %arg6[%dma_wait3A_235, %dma_wait3A_236] : memref<640x128xf32, #tpu.memory_space<vmem>> -> memref<128x128xf32, #tpu.memory_space<vmem>>
      %dma_wait3A_238 = arith.constant 640 : i32
      %dma_wait3A_239 = tpu.memref_slice %arg5[%dma_wait3A_238] : memref<1200xi32, #tpu.memory_space<vmem>> -> memref<128xi32, #tpu.memory_space<vmem>>
      %dma_wait3A_240 = arith.constant 0 : i32
      %dma_wait3A_241 = arith.constant 0 : i32
      %dma_wait3A_242 = tpu.memref_slice %arg3[%dma_wait3A_240, %dma_wait3A_241] : memref<100000x128xf32, #tpu.memory_space<hbm>> -> memref<100000x128xf32, #tpu.memory_space<hbm>>
      tpu.wait_indirect_dma semaphore(%arg7 : memref<!tpu.dma_semaphore, #tpu.memory_space<semaphore_mem>>) src(%dma_wait3A_242 : memref<100000x128xf32, #tpu.memory_space<hbm>>) dst(%dma_wait3A_237 : memref<128x128xf32, #tpu.memory_space<vmem>>)
      %add3A_243 = arith.constant 640 : i32
      %add3A_244 = arith.addi %mul3A_7, %add3A_243 : i32
      %dma_start3A_245 = arith.constant 0 : i32
      %dma_start3A_246 = arith.constant 0 : i32
      %dma_start3A_247 = tpu.memref_slice %arg6[%dma_start3A_245, %dma_start3A_246] : memref<640x128xf32, #tpu.memory_space<vmem>> -> memref<128x128xf32, #tpu.memory_space<vmem>>
      %dma_start3A_248 = arith.constant 0 : i32
      %dma_start3A_249 = tpu.memref_slice %arg4[%add3A_244, %dma_start3A_248] : memref<28928x128xf32, #tpu.memory_space<hbm>> -> memref<128x128xf32, #tpu.memory_space<hbm>>
      %dma_start3A_250 = arith.constant 0 : i32
      %dma_start3A_251 = tpu.memref_slice %arg4[%add3A_244, %dma_start3A_250] : memref<28928x128xf32, #tpu.memory_space<hbm>> -> memref<128x128xf32, #tpu.memory_space<hbm>>
      %dma_start3A_252 = arith.constant 0 : i32
      %dma_start3A_253 = arith.constant 0 : i32
      %dma_start3A_254 = tpu.memref_slice %arg6[%dma_start3A_252, %dma_start3A_253] : memref<640x128xf32, #tpu.memory_space<vmem>> -> memref<128x128xf32, #tpu.memory_space<vmem>>
      tpu.enqueue_dma source(%dma_start3A_254 : memref<128x128xf32, #tpu.memory_space<vmem>>) target(%dma_start3A_251 : memref<128x128xf32, #tpu.memory_space<hbm>>) target_semaphore(%arg12 : memref<!tpu.dma_semaphore, #tpu.memory_space<semaphore_mem>>)
      %dma_wait3A_255 = arith.constant 128 : i32
      %dma_wait3A_256 = arith.constant 0 : i32
      %dma_wait3A_257 = tpu.memref_slice %arg6[%dma_wait3A_255, %dma_wait3A_256] : memref<640x128xf32, #tpu.memory_space<vmem>> -> memref<128x128xf32, #tpu.memory_space<vmem>>
      %dma_wait3A_258 = arith.constant 768 : i32
      %dma_wait3A_259 = tpu.memref_slice %arg5[%dma_wait3A_258] : memref<1200xi32, #tpu.memory_space<vmem>> -> memref<128xi32, #tpu.memory_space<vmem>>
      %dma_wait3A_260 = arith.constant 0 : i32
      %dma_wait3A_261 = arith.constant 0 : i32
      %dma_wait3A_262 = tpu.memref_slice %arg3[%dma_wait3A_260, %dma_wait3A_261] : memref<100000x128xf32, #tpu.memory_space<hbm>> -> memref<100000x128xf32, #tpu.memory_space<hbm>>
      tpu.wait_indirect_dma semaphore(%arg8 : memref<!tpu.dma_semaphore, #tpu.memory_space<semaphore_mem>>) src(%dma_wait3A_262 : memref<100000x128xf32, #tpu.memory_space<hbm>>) dst(%dma_wait3A_257 : memref<128x128xf32, #tpu.memory_space<vmem>>)
      %add3A_263 = arith.constant 768 : i32
      %add3A_264 = arith.addi %mul3A_7, %add3A_263 : i32
      %dma_start3A_265 = arith.constant 128 : i32
      %dma_start3A_266 = arith.constant 0 : i32
      %dma_start3A_267 = tpu.memref_slice %arg6[%dma_start3A_265, %dma_start3A_266] : memref<640x128xf32, #tpu.memory_space<vmem>> -> memref<128x128xf32, #tpu.memory_space<vmem>>
      %dma_start3A_268 = arith.constant 0 : i32
      %dma_start3A_269 = tpu.memref_slice %arg4[%add3A_264, %dma_start3A_268] : memref<28928x128xf32, #tpu.memory_space<hbm>> -> memref<128x128xf32, #tpu.memory_space<hbm>>
      %dma_start3A_270 = arith.constant 0 : i32
      %dma_start3A_271 = tpu.memref_slice %arg4[%add3A_264, %dma_start3A_270] : memref<28928x128xf32, #tpu.memory_space<hbm>> -> memref<128x128xf32, #tpu.memory_space<hbm>>
      %dma_start3A_272 = arith.constant 128 : i32
      %dma_start3A_273 = arith.constant 0 : i32
      %dma_start3A_274 = tpu.memref_slice %arg6[%dma_start3A_272, %dma_start3A_273] : memref<640x128xf32, #tpu.memory_space<vmem>> -> memref<128x128xf32, #tpu.memory_space<vmem>>
      tpu.enqueue_dma source(%dma_start3A_274 : memref<128x128xf32, #tpu.memory_space<vmem>>) target(%dma_start3A_271 : memref<128x128xf32, #tpu.memory_space<hbm>>) target_semaphore(%arg13 : memref<!tpu.dma_semaphore, #tpu.memory_space<semaphore_mem>>)
      %dma_wait3A_275 = arith.constant 256 : i32
      %dma_wait3A_276 = arith.constant 0 : i32
      %dma_wait3A_277 = tpu.memref_slice %arg6[%dma_wait3A_275, %dma_wait3A_276] : memref<640x128xf32, #tpu.memory_space<vmem>> -> memref<128x128xf32, #tpu.memory_space<vmem>>
      %dma_wait3A_278 = arith.constant 896 : i32
      %dma_wait3A_279 = tpu.memref_slice %arg5[%dma_wait3A_278] : memref<1200xi32, #tpu.memory_space<vmem>> -> memref<128xi32, #tpu.memory_space<vmem>>
      %dma_wait3A_280 = arith.constant 0 : i32
      %dma_wait3A_281 = arith.constant 0 : i32
      %dma_wait3A_282 = tpu.memref_slice %arg3[%dma_wait3A_280, %dma_wait3A_281] : memref<100000x128xf32, #tpu.memory_space<hbm>> -> memref<100000x128xf32, #tpu.memory_space<hbm>>
      tpu.wait_indirect_dma semaphore(%arg9 : memref<!tpu.dma_semaphore, #tpu.memory_space<semaphore_mem>>) src(%dma_wait3A_282 : memref<100000x128xf32, #tpu.memory_space<hbm>>) dst(%dma_wait3A_277 : memref<128x128xf32, #tpu.memory_space<vmem>>)
      %add3A_283 = arith.constant 896 : i32
      %add3A_284 = arith.addi %mul3A_7, %add3A_283 : i32
      %dma_start3A_285 = arith.constant 256 : i32
      %dma_start3A_286 = arith.constant 0 : i32
      %dma_start3A_287 = tpu.memref_slice %arg6[%dma_start3A_285, %dma_start3A_286] : memref<640x128xf32, #tpu.memory_space<vmem>> -> memref<128x128xf32, #tpu.memory_space<vmem>>
      %dma_start3A_288 = arith.constant 0 : i32
      %dma_start3A_289 = tpu.memref_slice %arg4[%add3A_284, %dma_start3A_288] : memref<28928x128xf32, #tpu.memory_space<hbm>> -> memref<128x128xf32, #tpu.memory_space<hbm>>
      %dma_start3A_290 = arith.constant 0 : i32
      %dma_start3A_291 = tpu.memref_slice %arg4[%add3A_284, %dma_start3A_290] : memref<28928x128xf32, #tpu.memory_space<hbm>> -> memref<128x128xf32, #tpu.memory_space<hbm>>
      %dma_start3A_292 = arith.constant 256 : i32
      %dma_start3A_293 = arith.constant 0 : i32
      %dma_start3A_294 = tpu.memref_slice %arg6[%dma_start3A_292, %dma_start3A_293] : memref<640x128xf32, #tpu.memory_space<vmem>> -> memref<128x128xf32, #tpu.memory_space<vmem>>
      tpu.enqueue_dma source(%dma_start3A_294 : memref<128x128xf32, #tpu.memory_space<vmem>>) target(%dma_start3A_291 : memref<128x128xf32, #tpu.memory_space<hbm>>) target_semaphore(%arg14 : memref<!tpu.dma_semaphore, #tpu.memory_space<semaphore_mem>>)
      %dma_wait3A_295 = arith.constant 384 : i32
      %dma_wait3A_296 = arith.constant 0 : i32
      %dma_wait3A_297 = tpu.memref_slice %arg6[%dma_wait3A_295, %dma_wait3A_296] : memref<640x128xf32, #tpu.memory_space<vmem>> -> memref<128x128xf32, #tpu.memory_space<vmem>>
      %dma_wait3A_298 = arith.constant 1024 : i32
      %dma_wait3A_299 = tpu.memref_slice %arg5[%dma_wait3A_298] : memref<1200xi32, #tpu.memory_space<vmem>> -> memref<128xi32, #tpu.memory_space<vmem>>
      %dma_wait3A_300 = arith.constant 0 : i32
      %dma_wait3A_301 = arith.constant 0 : i32
      %dma_wait3A_302 = tpu.memref_slice %arg3[%dma_wait3A_300, %dma_wait3A_301] : memref<100000x128xf32, #tpu.memory_space<hbm>> -> memref<100000x128xf32, #tpu.memory_space<hbm>>
      tpu.wait_indirect_dma semaphore(%arg10 : memref<!tpu.dma_semaphore, #tpu.memory_space<semaphore_mem>>) src(%dma_wait3A_302 : memref<100000x128xf32, #tpu.memory_space<hbm>>) dst(%dma_wait3A_297 : memref<128x128xf32, #tpu.memory_space<vmem>>)
      %add3A_303 = arith.constant 1024 : i32
      %add3A_304 = arith.addi %mul3A_7, %add3A_303 : i32
      %dma_start3A_305 = arith.constant 384 : i32
      %dma_start3A_306 = arith.constant 0 : i32
      %dma_start3A_307 = tpu.memref_slice %arg6[%dma_start3A_305, %dma_start3A_306] : memref<640x128xf32, #tpu.memory_space<vmem>> -> memref<128x128xf32, #tpu.memory_space<vmem>>
      %dma_start3A_308 = arith.constant 0 : i32
      %dma_start3A_309 = tpu.memref_slice %arg4[%add3A_304, %dma_start3A_308] : memref<28928x128xf32, #tpu.memory_space<hbm>> -> memref<128x128xf32, #tpu.memory_space<hbm>>
      %dma_start3A_310 = arith.constant 0 : i32
      %dma_start3A_311 = tpu.memref_slice %arg4[%add3A_304, %dma_start3A_310] : memref<28928x128xf32, #tpu.memory_space<hbm>> -> memref<128x128xf32, #tpu.memory_space<hbm>>
      %dma_start3A_312 = arith.constant 384 : i32
      %dma_start3A_313 = arith.constant 0 : i32
      %dma_start3A_314 = tpu.memref_slice %arg6[%dma_start3A_312, %dma_start3A_313] : memref<640x128xf32, #tpu.memory_space<vmem>> -> memref<128x128xf32, #tpu.memory_space<vmem>>
      tpu.enqueue_dma source(%dma_start3A_314 : memref<128x128xf32, #tpu.memory_space<vmem>>) target(%dma_start3A_311 : memref<128x128xf32, #tpu.memory_space<hbm>>) target_semaphore(%arg15 : memref<!tpu.dma_semaphore, #tpu.memory_space<semaphore_mem>>)
      %dma_wait3A_315 = arith.constant 512 : i32
      %dma_wait3A_316 = arith.constant 0 : i32
      %dma_wait3A_317 = tpu.memref_slice %arg6[%dma_wait3A_315, %dma_wait3A_316] : memref<640x128xf32, #tpu.memory_space<vmem>> -> memref<48x128xf32, #tpu.memory_space<vmem>>
      %dma_wait3A_318 = arith.constant 1152 : i32
      %dma_wait3A_319 = tpu.memref_slice %arg5[%dma_wait3A_318] : memref<1200xi32, #tpu.memory_space<vmem>> -> memref<48xi32, #tpu.memory_space<vmem>>
      %dma_wait3A_320 = arith.constant 0 : i32
      %dma_wait3A_321 = arith.constant 0 : i32
      %dma_wait3A_322 = tpu.memref_slice %arg3[%dma_wait3A_320, %dma_wait3A_321] : memref<100000x128xf32, #tpu.memory_space<hbm>> -> memref<100000x128xf32, #tpu.memory_space<hbm>>
      tpu.wait_indirect_dma semaphore(%arg11 : memref<!tpu.dma_semaphore, #tpu.memory_space<semaphore_mem>>) src(%dma_wait3A_322 : memref<100000x128xf32, #tpu.memory_space<hbm>>) dst(%dma_wait3A_317 : memref<48x128xf32, #tpu.memory_space<vmem>>)
      %add3A_323 = arith.constant 1152 : i32
      %add3A_324 = arith.addi %mul3A_7, %add3A_323 : i32
      %dma_start3A_325 = arith.constant 512 : i32
      %dma_start3A_326 = arith.constant 0 : i32
      %dma_start3A_327 = tpu.memref_slice %arg6[%dma_start3A_325, %dma_start3A_326] : memref<640x128xf32, #tpu.memory_space<vmem>> -> memref<48x128xf32, #tpu.memory_space<vmem>>
      %dma_start3A_328 = arith.constant 0 : i32
      %dma_start3A_329 = tpu.memref_slice %arg4[%add3A_324, %dma_start3A_328] : memref<28928x128xf32, #tpu.memory_space<hbm>> -> memref<48x128xf32, #tpu.memory_space<hbm>>
      %dma_start3A_330 = arith.constant 0 : i32
      %dma_start3A_331 = tpu.memref_slice %arg4[%add3A_324, %dma_start3A_330] : memref<28928x128xf32, #tpu.memory_space<hbm>> -> memref<48x128xf32, #tpu.memory_space<hbm>>
      %dma_start3A_332 = arith.constant 512 : i32
      %dma_start3A_333 = arith.constant 0 : i32
      %dma_start3A_334 = tpu.memref_slice %arg6[%dma_start3A_332, %dma_start3A_333] : memref<640x128xf32, #tpu.memory_space<vmem>> -> memref<48x128xf32, #tpu.memory_space<vmem>>
      tpu.enqueue_dma source(%dma_start3A_334 : memref<48x128xf32, #tpu.memory_space<vmem>>) target(%dma_start3A_331 : memref<48x128xf32, #tpu.memory_space<hbm>>) target_semaphore(%arg16 : memref<!tpu.dma_semaphore, #tpu.memory_space<semaphore_mem>>)
      %dma_wait3A_335 = arith.constant 0 : i32
      %dma_wait3A_336 = arith.constant 0 : i32
      %dma_wait3A_337 = tpu.memref_slice %arg6[%dma_wait3A_335, %dma_wait3A_336] : memref<640x128xf32, #tpu.memory_space<vmem>> -> memref<128x128xf32, #tpu.memory_space<vmem>>
      %dma_wait3A_338 = arith.constant 0 : i32
      %dma_wait3A_339 = tpu.memref_slice %arg4[%add3A_244, %dma_wait3A_338] : memref<28928x128xf32, #tpu.memory_space<hbm>> -> memref<128x128xf32, #tpu.memory_space<hbm>>
      %dma_wait3A_340 = arith.constant 0 : i32
      %dma_wait3A_341 = tpu.memref_slice %arg4[%add3A_244, %dma_wait3A_340] : memref<28928x128xf32, #tpu.memory_space<hbm>> -> memref<128x128xf32, #tpu.memory_space<hbm>>
      %dma_wait3A_342 = arith.constant 0 : i32
      %dma_wait3A_343 = arith.constant 0 : i32
      %dma_wait3A_344 = tpu.memref_slice %arg6[%dma_wait3A_342, %dma_wait3A_343] : memref<640x128xf32, #tpu.memory_space<vmem>> -> memref<128x128xf32, #tpu.memory_space<vmem>>
      tpu.wait_dma2 semaphore(%arg12 : memref<!tpu.dma_semaphore, #tpu.memory_space<semaphore_mem>>) src(%dma_wait3A_344 : memref<128x128xf32, #tpu.memory_space<vmem>>) dst(%dma_wait3A_341 : memref<128x128xf32, #tpu.memory_space<hbm>>)
      %dma_wait3A_345 = arith.constant 128 : i32
      %dma_wait3A_346 = arith.constant 0 : i32
      %dma_wait3A_347 = tpu.memref_slice %arg6[%dma_wait3A_345, %dma_wait3A_346] : memref<640x128xf32, #tpu.memory_space<vmem>> -> memref<128x128xf32, #tpu.memory_space<vmem>>
      %dma_wait3A_348 = arith.constant 0 : i32
      %dma_wait3A_349 = tpu.memref_slice %arg4[%add3A_264, %dma_wait3A_348] : memref<28928x128xf32, #tpu.memory_space<hbm>> -> memref<128x128xf32, #tpu.memory_space<hbm>>
      %dma_wait3A_350 = arith.constant 0 : i32
      %dma_wait3A_351 = tpu.memref_slice %arg4[%add3A_264, %dma_wait3A_350] : memref<28928x128xf32, #tpu.memory_space<hbm>> -> memref<128x128xf32, #tpu.memory_space<hbm>>
      %dma_wait3A_352 = arith.constant 128 : i32
      %dma_wait3A_353 = arith.constant 0 : i32
      %dma_wait3A_354 = tpu.memref_slice %arg6[%dma_wait3A_352, %dma_wait3A_353] : memref<640x128xf32, #tpu.memory_space<vmem>> -> memref<128x128xf32, #tpu.memory_space<vmem>>
      tpu.wait_dma2 semaphore(%arg13 : memref<!tpu.dma_semaphore, #tpu.memory_space<semaphore_mem>>) src(%dma_wait3A_354 : memref<128x128xf32, #tpu.memory_space<vmem>>) dst(%dma_wait3A_351 : memref<128x128xf32, #tpu.memory_space<hbm>>)
      %dma_wait3A_355 = arith.constant 256 : i32
      %dma_wait3A_356 = arith.constant 0 : i32
      %dma_wait3A_357 = tpu.memref_slice %arg6[%dma_wait3A_355, %dma_wait3A_356] : memref<640x128xf32, #tpu.memory_space<vmem>> -> memref<128x128xf32, #tpu.memory_space<vmem>>
      %dma_wait3A_358 = arith.constant 0 : i32
      %dma_wait3A_359 = tpu.memref_slice %arg4[%add3A_284, %dma_wait3A_358] : memref<28928x128xf32, #tpu.memory_space<hbm>> -> memref<128x128xf32, #tpu.memory_space<hbm>>
      %dma_wait3A_360 = arith.constant 0 : i32
      %dma_wait3A_361 = tpu.memref_slice %arg4[%add3A_284, %dma_wait3A_360] : memref<28928x128xf32, #tpu.memory_space<hbm>> -> memref<128x128xf32, #tpu.memory_space<hbm>>
      %dma_wait3A_362 = arith.constant 256 : i32
      %dma_wait3A_363 = arith.constant 0 : i32
      %dma_wait3A_364 = tpu.memref_slice %arg6[%dma_wait3A_362, %dma_wait3A_363] : memref<640x128xf32, #tpu.memory_space<vmem>> -> memref<128x128xf32, #tpu.memory_space<vmem>>
      tpu.wait_dma2 semaphore(%arg14 : memref<!tpu.dma_semaphore, #tpu.memory_space<semaphore_mem>>) src(%dma_wait3A_364 : memref<128x128xf32, #tpu.memory_space<vmem>>) dst(%dma_wait3A_361 : memref<128x128xf32, #tpu.memory_space<hbm>>)
      %dma_wait3A_365 = arith.constant 384 : i32
      %dma_wait3A_366 = arith.constant 0 : i32
      %dma_wait3A_367 = tpu.memref_slice %arg6[%dma_wait3A_365, %dma_wait3A_366] : memref<640x128xf32, #tpu.memory_space<vmem>> -> memref<128x128xf32, #tpu.memory_space<vmem>>
      %dma_wait3A_368 = arith.constant 0 : i32
      %dma_wait3A_369 = tpu.memref_slice %arg4[%add3A_304, %dma_wait3A_368] : memref<28928x128xf32, #tpu.memory_space<hbm>> -> memref<128x128xf32, #tpu.memory_space<hbm>>
      %dma_wait3A_370 = arith.constant 0 : i32
      %dma_wait3A_371 = tpu.memref_slice %arg4[%add3A_304, %dma_wait3A_370] : memref<28928x128xf32, #tpu.memory_space<hbm>> -> memref<128x128xf32, #tpu.memory_space<hbm>>
      %dma_wait3A_372 = arith.constant 384 : i32
      %dma_wait3A_373 = arith.constant 0 : i32
      %dma_wait3A_374 = tpu.memref_slice %arg6[%dma_wait3A_372, %dma_wait3A_373] : memref<640x128xf32, #tpu.memory_space<vmem>> -> memref<128x128xf32, #tpu.memory_space<vmem>>
      tpu.wait_dma2 semaphore(%arg15 : memref<!tpu.dma_semaphore, #tpu.memory_space<semaphore_mem>>) src(%dma_wait3A_374 : memref<128x128xf32, #tpu.memory_space<vmem>>) dst(%dma_wait3A_371 : memref<128x128xf32, #tpu.memory_space<hbm>>)
      %dma_wait3A_375 = arith.constant 512 : i32
      %dma_wait3A_376 = arith.constant 0 : i32
      %dma_wait3A_377 = tpu.memref_slice %arg6[%dma_wait3A_375, %dma_wait3A_376] : memref<640x128xf32, #tpu.memory_space<vmem>> -> memref<48x128xf32, #tpu.memory_space<vmem>>
      %dma_wait3A_378 = arith.constant 0 : i32
      %dma_wait3A_379 = tpu.memref_slice %arg4[%add3A_324, %dma_wait3A_378] : memref<28928x128xf32, #tpu.memory_space<hbm>> -> memref<48x128xf32, #tpu.memory_space<hbm>>
      %dma_wait3A_380 = arith.constant 0 : i32
      %dma_wait3A_381 = tpu.memref_slice %arg4[%add3A_324, %dma_wait3A_380] : memref<28928x128xf32, #tpu.memory_space<hbm>> -> memref<48x128xf32, #tpu.memory_space<hbm>>
      %dma_wait3A_382 = arith.constant 512 : i32
      %dma_wait3A_383 = arith.constant 0 : i32
      %dma_wait3A_384 = tpu.memref_slice %arg6[%dma_wait3A_382, %dma_wait3A_383] : memref<640x128xf32, #tpu.memory_space<vmem>> -> memref<48x128xf32, #tpu.memory_space<vmem>>
      tpu.wait_dma2 semaphore(%arg16 : memref<!tpu.dma_semaphore, #tpu.memory_space<semaphore_mem>>) src(%dma_wait3A_384 : memref<48x128xf32, #tpu.memory_space<vmem>>) dst(%dma_wait3A_381 : memref<48x128xf32, #tpu.memory_space<hbm>>)
    } else {
    }
    %eq3A_2 = arith.constant 1 : i32
    %eq3A_3 = arith.cmpi eq, %arg0, %eq3A_2 : i32
    %convert_element_type3A_4 = arith.extui %eq3A_3 : i1 to i32
    %cond3A_5 = arith.constant 0 : i32
    %cond3A_6 = arith.cmpi ne, %convert_element_type3A_4, %cond3A_5 : i32
    scf.if %cond3A_6 {
      %mul3A = arith.constant 608 : i32
      %mul3A_7 = arith.muli %arg1, %mul3A : i32
      %add3A = arith.constant 19200 : i32
      %add3A_8 = arith.addi %add3A, %mul3A_7 : i32
      "tpu.region"() ({
        %run_scoped3A = tpu.sem_alloc : memref<!tpu.dma_semaphore, #tpu.memory_space<semaphore_mem>>
        %dma_start3A_197 = arith.constant 0 : i32
        %dma_start3A_198 = tpu.memref_slice %arg5[%dma_start3A_197] : memref<1200xi32, #tpu.memory_space<vmem>> -> memref<608xi32, #tpu.memory_space<vmem>>
        %dma_start3A_199 = tpu.memref_slice %arg2[%add3A_8] : memref<28928xi32, #tpu.memory_space<hbm>> -> memref<608xi32, #tpu.memory_space<hbm>>
        %dma_start3A_200 = arith.constant 0 : i32
        %dma_start3A_201 = tpu.memref_slice %arg5[%dma_start3A_200] : memref<1200xi32, #tpu.memory_space<vmem>> -> memref<608xi32, #tpu.memory_space<vmem>>
        %dma_start3A_202 = tpu.memref_slice %arg2[%add3A_8] : memref<28928xi32, #tpu.memory_space<hbm>> -> memref<608xi32, #tpu.memory_space<hbm>>
        tpu.enqueue_dma source(%dma_start3A_202 : memref<608xi32, #tpu.memory_space<hbm>>) target(%dma_start3A_201 : memref<608xi32, #tpu.memory_space<vmem>>) target_semaphore(%run_scoped3A : memref<!tpu.dma_semaphore, #tpu.memory_space<semaphore_mem>>)
        %dma_wait3A_203 = arith.constant 0 : i32
        %dma_wait3A_204 = tpu.memref_slice %arg5[%dma_wait3A_203] : memref<1200xi32, #tpu.memory_space<vmem>> -> memref<608xi32, #tpu.memory_space<vmem>>
        %dma_wait3A_205 = tpu.memref_slice %arg2[%add3A_8] : memref<28928xi32, #tpu.memory_space<hbm>> -> memref<608xi32, #tpu.memory_space<hbm>>
        %dma_wait3A_206 = arith.constant 0 : i32
        %dma_wait3A_207 = tpu.memref_slice %arg5[%dma_wait3A_206] : memref<1200xi32, #tpu.memory_space<vmem>> -> memref<608xi32, #tpu.memory_space<vmem>>
        %dma_wait3A_208 = tpu.memref_slice %arg2[%add3A_8] : memref<28928xi32, #tpu.memory_space<hbm>> -> memref<608xi32, #tpu.memory_space<hbm>>
        tpu.wait_dma2 semaphore(%run_scoped3A : memref<!tpu.dma_semaphore, #tpu.memory_space<semaphore_mem>>) src(%dma_wait3A_208 : memref<608xi32, #tpu.memory_space<hbm>>) dst(%dma_wait3A_207 : memref<608xi32, #tpu.memory_space<vmem>>)
        tpu.yield
      }) : () -> ()
      %dma_start3A = arith.constant 0 : i32
      %dma_start3A_9 = arith.constant 0 : i32
      %dma_start3A_10 = tpu.memref_slice %arg6[%dma_start3A, %dma_start3A_9] : memref<640x128xf32, #tpu.memory_space<vmem>> -> memref<128x128xf32, #tpu.memory_space<vmem>>
      %dma_start3A_11 = arith.constant 0 : i32
      %dma_start3A_12 = tpu.memref_slice %arg5[%dma_start3A_11] : memref<1200xi32, #tpu.memory_space<vmem>> -> memref<128xi32, #tpu.memory_space<vmem>>
      %dma_start3A_13 = arith.constant 0 : i32
      %dma_start3A_14 = arith.constant 0 : i32
      %dma_start3A_15 = tpu.memref_slice %arg3[%dma_start3A_13, %dma_start3A_14] : memref<100000x128xf32, #tpu.memory_space<hbm>> -> memref<100000x128xf32, #tpu.memory_space<hbm>>
      tpu.enqueue_indirect_dma source(%dma_start3A_15 : memref<100000x128xf32, #tpu.memory_space<hbm>>) target(%dma_start3A_10 : memref<128x128xf32, #tpu.memory_space<vmem>>) offsets(%dma_start3A_12 : memref<128xi32, #tpu.memory_space<vmem>>) semaphore(%arg7 : memref<!tpu.dma_semaphore, #tpu.memory_space<semaphore_mem>>)
      %dma_start3A_16 = arith.constant 128 : i32
      %dma_start3A_17 = arith.constant 0 : i32
      %dma_start3A_18 = tpu.memref_slice %arg6[%dma_start3A_16, %dma_start3A_17] : memref<640x128xf32, #tpu.memory_space<vmem>> -> memref<128x128xf32, #tpu.memory_space<vmem>>
      %dma_start3A_19 = arith.constant 128 : i32
      %dma_start3A_20 = tpu.memref_slice %arg5[%dma_start3A_19] : memref<1200xi32, #tpu.memory_space<vmem>> -> memref<128xi32, #tpu.memory_space<vmem>>
      %dma_start3A_21 = arith.constant 0 : i32
      %dma_start3A_22 = arith.constant 0 : i32
      %dma_start3A_23 = tpu.memref_slice %arg3[%dma_start3A_21, %dma_start3A_22] : memref<100000x128xf32, #tpu.memory_space<hbm>> -> memref<100000x128xf32, #tpu.memory_space<hbm>>
      tpu.enqueue_indirect_dma source(%dma_start3A_23 : memref<100000x128xf32, #tpu.memory_space<hbm>>) target(%dma_start3A_18 : memref<128x128xf32, #tpu.memory_space<vmem>>) offsets(%dma_start3A_20 : memref<128xi32, #tpu.memory_space<vmem>>) semaphore(%arg8 : memref<!tpu.dma_semaphore, #tpu.memory_space<semaphore_mem>>)
      %dma_start3A_24 = arith.constant 256 : i32
      %dma_start3A_25 = arith.constant 0 : i32
      %dma_start3A_26 = tpu.memref_slice %arg6[%dma_start3A_24, %dma_start3A_25] : memref<640x128xf32, #tpu.memory_space<vmem>> -> memref<128x128xf32, #tpu.memory_space<vmem>>
      %dma_start3A_27 = arith.constant 256 : i32
      %dma_start3A_28 = tpu.memref_slice %arg5[%dma_start3A_27] : memref<1200xi32, #tpu.memory_space<vmem>> -> memref<128xi32, #tpu.memory_space<vmem>>
      %dma_start3A_29 = arith.constant 0 : i32
      %dma_start3A_30 = arith.constant 0 : i32
      %dma_start3A_31 = tpu.memref_slice %arg3[%dma_start3A_29, %dma_start3A_30] : memref<100000x128xf32, #tpu.memory_space<hbm>> -> memref<100000x128xf32, #tpu.memory_space<hbm>>
      tpu.enqueue_indirect_dma source(%dma_start3A_31 : memref<100000x128xf32, #tpu.memory_space<hbm>>) target(%dma_start3A_26 : memref<128x128xf32, #tpu.memory_space<vmem>>) offsets(%dma_start3A_28 : memref<128xi32, #tpu.memory_space<vmem>>) semaphore(%arg9 : memref<!tpu.dma_semaphore, #tpu.memory_space<semaphore_mem>>)
      %dma_start3A_32 = arith.constant 384 : i32
      %dma_start3A_33 = arith.constant 0 : i32
      %dma_start3A_34 = tpu.memref_slice %arg6[%dma_start3A_32, %dma_start3A_33] : memref<640x128xf32, #tpu.memory_space<vmem>> -> memref<128x128xf32, #tpu.memory_space<vmem>>
      %dma_start3A_35 = arith.constant 384 : i32
      %dma_start3A_36 = tpu.memref_slice %arg5[%dma_start3A_35] : memref<1200xi32, #tpu.memory_space<vmem>> -> memref<128xi32, #tpu.memory_space<vmem>>
      %dma_start3A_37 = arith.constant 0 : i32
      %dma_start3A_38 = arith.constant 0 : i32
      %dma_start3A_39 = tpu.memref_slice %arg3[%dma_start3A_37, %dma_start3A_38] : memref<100000x128xf32, #tpu.memory_space<hbm>> -> memref<100000x128xf32, #tpu.memory_space<hbm>>
      tpu.enqueue_indirect_dma source(%dma_start3A_39 : memref<100000x128xf32, #tpu.memory_space<hbm>>) target(%dma_start3A_34 : memref<128x128xf32, #tpu.memory_space<vmem>>) offsets(%dma_start3A_36 : memref<128xi32, #tpu.memory_space<vmem>>) semaphore(%arg10 : memref<!tpu.dma_semaphore, #tpu.memory_space<semaphore_mem>>)
      %dma_start3A_40 = arith.constant 512 : i32
      %dma_start3A_41 = arith.constant 0 : i32
      %dma_start3A_42 = tpu.memref_slice %arg6[%dma_start3A_40, %dma_start3A_41] : memref<640x128xf32, #tpu.memory_space<vmem>> -> memref<96x128xf32, #tpu.memory_space<vmem>>
      %dma_start3A_43 = arith.constant 512 : i32
      %dma_start3A_44 = tpu.memref_slice %arg5[%dma_start3A_43] : memref<1200xi32, #tpu.memory_space<vmem>> -> memref<96xi32, #tpu.memory_space<vmem>>
      %dma_start3A_45 = arith.constant 0 : i32
      %dma_start3A_46 = arith.constant 0 : i32
      %dma_start3A_47 = tpu.memref_slice %arg3[%dma_start3A_45, %dma_start3A_46] : memref<100000x128xf32, #tpu.memory_space<hbm>> -> memref<100000x128xf32, #tpu.memory_space<hbm>>
      tpu.enqueue_indirect_dma source(%dma_start3A_47 : memref<100000x128xf32, #tpu.memory_space<hbm>>) target(%dma_start3A_42 : memref<96x128xf32, #tpu.memory_space<vmem>>) offsets(%dma_start3A_44 : memref<96xi32, #tpu.memory_space<vmem>>) semaphore(%arg11 : memref<!tpu.dma_semaphore, #tpu.memory_space<semaphore_mem>>)
      %dma_wait3A = arith.constant 0 : i32
      %dma_wait3A_48 = arith.constant 0 : i32
      %dma_wait3A_49 = tpu.memref_slice %arg6[%dma_wait3A, %dma_wait3A_48] : memref<640x128xf32, #tpu.memory_space<vmem>> -> memref<128x128xf32, #tpu.memory_space<vmem>>
      %dma_wait3A_50 = arith.constant 0 : i32
      %dma_wait3A_51 = tpu.memref_slice %arg5[%dma_wait3A_50] : memref<1200xi32, #tpu.memory_space<vmem>> -> memref<128xi32, #tpu.memory_space<vmem>>
      %dma_wait3A_52 = arith.constant 0 : i32
      %dma_wait3A_53 = arith.constant 0 : i32
      %dma_wait3A_54 = tpu.memref_slice %arg3[%dma_wait3A_52, %dma_wait3A_53] : memref<100000x128xf32, #tpu.memory_space<hbm>> -> memref<100000x128xf32, #tpu.memory_space<hbm>>
      tpu.wait_indirect_dma semaphore(%arg7 : memref<!tpu.dma_semaphore, #tpu.memory_space<semaphore_mem>>) src(%dma_wait3A_54 : memref<100000x128xf32, #tpu.memory_space<hbm>>) dst(%dma_wait3A_49 : memref<128x128xf32, #tpu.memory_space<vmem>>)
      %add3A_55 = arith.constant 0 : i32
      %add3A_56 = arith.addi %add3A_8, %add3A_55 : i32
      %dma_start3A_57 = arith.constant 0 : i32
      %dma_start3A_58 = arith.constant 0 : i32
      %dma_start3A_59 = tpu.memref_slice %arg6[%dma_start3A_57, %dma_start3A_58] : memref<640x128xf32, #tpu.memory_space<vmem>> -> memref<128x128xf32, #tpu.memory_space<vmem>>
      %dma_start3A_60 = arith.constant 0 : i32
      %dma_start3A_61 = tpu.memref_slice %arg4[%add3A_56, %dma_start3A_60] : memref<28928x128xf32, #tpu.memory_space<hbm>> -> memref<128x128xf32, #tpu.memory_space<hbm>>
      %dma_start3A_62 = arith.constant 0 : i32
      %dma_start3A_63 = tpu.memref_slice %arg4[%add3A_56, %dma_start3A_62] : memref<28928x128xf32, #tpu.memory_space<hbm>> -> memref<128x128xf32, #tpu.memory_space<hbm>>
      %dma_start3A_64 = arith.constant 0 : i32
      %dma_start3A_65 = arith.constant 0 : i32
      %dma_start3A_66 = tpu.memref_slice %arg6[%dma_start3A_64, %dma_start3A_65] : memref<640x128xf32, #tpu.memory_space<vmem>> -> memref<128x128xf32, #tpu.memory_space<vmem>>
      tpu.enqueue_dma source(%dma_start3A_66 : memref<128x128xf32, #tpu.memory_space<vmem>>) target(%dma_start3A_63 : memref<128x128xf32, #tpu.memory_space<hbm>>) target_semaphore(%arg17 : memref<!tpu.dma_semaphore, #tpu.memory_space<semaphore_mem>>)
      %dma_wait3A_67 = arith.constant 128 : i32
      %dma_wait3A_68 = arith.constant 0 : i32
      %dma_wait3A_69 = tpu.memref_slice %arg6[%dma_wait3A_67, %dma_wait3A_68] : memref<640x128xf32, #tpu.memory_space<vmem>> -> memref<128x128xf32, #tpu.memory_space<vmem>>
      %dma_wait3A_70 = arith.constant 128 : i32
      %dma_wait3A_71 = tpu.memref_slice %arg5[%dma_wait3A_70] : memref<1200xi32, #tpu.memory_space<vmem>> -> memref<128xi32, #tpu.memory_space<vmem>>
      %dma_wait3A_72 = arith.constant 0 : i32
      %dma_wait3A_73 = arith.constant 0 : i32
      %dma_wait3A_74 = tpu.memref_slice %arg3[%dma_wait3A_72, %dma_wait3A_73] : memref<100000x128xf32, #tpu.memory_space<hbm>> -> memref<100000x128xf32, #tpu.memory_space<hbm>>
      tpu.wait_indirect_dma semaphore(%arg8 : memref<!tpu.dma_semaphore, #tpu.memory_space<semaphore_mem>>) src(%dma_wait3A_74 : memref<100000x128xf32, #tpu.memory_space<hbm>>) dst(%dma_wait3A_69 : memref<128x128xf32, #tpu.memory_space<vmem>>)
      %add3A_75 = arith.constant 128 : i32
      %add3A_76 = arith.addi %add3A_8, %add3A_75 : i32
      %dma_start3A_77 = arith.constant 128 : i32
      %dma_start3A_78 = arith.constant 0 : i32
      %dma_start3A_79 = tpu.memref_slice %arg6[%dma_start3A_77, %dma_start3A_78] : memref<640x128xf32, #tpu.memory_space<vmem>> -> memref<128x128xf32, #tpu.memory_space<vmem>>
      %dma_start3A_80 = arith.constant 0 : i32
      %dma_start3A_81 = tpu.memref_slice %arg4[%add3A_76, %dma_start3A_80] : memref<28928x128xf32, #tpu.memory_space<hbm>> -> memref<128x128xf32, #tpu.memory_space<hbm>>
      %dma_start3A_82 = arith.constant 0 : i32
      %dma_start3A_83 = tpu.memref_slice %arg4[%add3A_76, %dma_start3A_82] : memref<28928x128xf32, #tpu.memory_space<hbm>> -> memref<128x128xf32, #tpu.memory_space<hbm>>
      %dma_start3A_84 = arith.constant 128 : i32
      %dma_start3A_85 = arith.constant 0 : i32
      %dma_start3A_86 = tpu.memref_slice %arg6[%dma_start3A_84, %dma_start3A_85] : memref<640x128xf32, #tpu.memory_space<vmem>> -> memref<128x128xf32, #tpu.memory_space<vmem>>
      tpu.enqueue_dma source(%dma_start3A_86 : memref<128x128xf32, #tpu.memory_space<vmem>>) target(%dma_start3A_83 : memref<128x128xf32, #tpu.memory_space<hbm>>) target_semaphore(%arg17 : memref<!tpu.dma_semaphore, #tpu.memory_space<semaphore_mem>>)
      %dma_wait3A_87 = arith.constant 256 : i32
      %dma_wait3A_88 = arith.constant 0 : i32
      %dma_wait3A_89 = tpu.memref_slice %arg6[%dma_wait3A_87, %dma_wait3A_88] : memref<640x128xf32, #tpu.memory_space<vmem>> -> memref<128x128xf32, #tpu.memory_space<vmem>>
      %dma_wait3A_90 = arith.constant 256 : i32
      %dma_wait3A_91 = tpu.memref_slice %arg5[%dma_wait3A_90] : memref<1200xi32, #tpu.memory_space<vmem>> -> memref<128xi32, #tpu.memory_space<vmem>>
      %dma_wait3A_92 = arith.constant 0 : i32
      %dma_wait3A_93 = arith.constant 0 : i32
      %dma_wait3A_94 = tpu.memref_slice %arg3[%dma_wait3A_92, %dma_wait3A_93] : memref<100000x128xf32, #tpu.memory_space<hbm>> -> memref<100000x128xf32, #tpu.memory_space<hbm>>
      tpu.wait_indirect_dma semaphore(%arg9 : memref<!tpu.dma_semaphore, #tpu.memory_space<semaphore_mem>>) src(%dma_wait3A_94 : memref<100000x128xf32, #tpu.memory_space<hbm>>) dst(%dma_wait3A_89 : memref<128x128xf32, #tpu.memory_space<vmem>>)
      %add3A_95 = arith.constant 256 : i32
      %add3A_96 = arith.addi %add3A_8, %add3A_95 : i32
      %dma_start3A_97 = arith.constant 256 : i32
      %dma_start3A_98 = arith.constant 0 : i32
      %dma_start3A_99 = tpu.memref_slice %arg6[%dma_start3A_97, %dma_start3A_98] : memref<640x128xf32, #tpu.memory_space<vmem>> -> memref<128x128xf32, #tpu.memory_space<vmem>>
      %dma_start3A_100 = arith.constant 0 : i32
      %dma_start3A_101 = tpu.memref_slice %arg4[%add3A_96, %dma_start3A_100] : memref<28928x128xf32, #tpu.memory_space<hbm>> -> memref<128x128xf32, #tpu.memory_space<hbm>>
      %dma_start3A_102 = arith.constant 0 : i32
      %dma_start3A_103 = tpu.memref_slice %arg4[%add3A_96, %dma_start3A_102] : memref<28928x128xf32, #tpu.memory_space<hbm>> -> memref<128x128xf32, #tpu.memory_space<hbm>>
      %dma_start3A_104 = arith.constant 256 : i32
      %dma_start3A_105 = arith.constant 0 : i32
      %dma_start3A_106 = tpu.memref_slice %arg6[%dma_start3A_104, %dma_start3A_105] : memref<640x128xf32, #tpu.memory_space<vmem>> -> memref<128x128xf32, #tpu.memory_space<vmem>>
      tpu.enqueue_dma source(%dma_start3A_106 : memref<128x128xf32, #tpu.memory_space<vmem>>) target(%dma_start3A_103 : memref<128x128xf32, #tpu.memory_space<hbm>>) target_semaphore(%arg17 : memref<!tpu.dma_semaphore, #tpu.memory_space<semaphore_mem>>)
      %dma_wait3A_107 = arith.constant 384 : i32
      %dma_wait3A_108 = arith.constant 0 : i32
      %dma_wait3A_109 = tpu.memref_slice %arg6[%dma_wait3A_107, %dma_wait3A_108] : memref<640x128xf32, #tpu.memory_space<vmem>> -> memref<128x128xf32, #tpu.memory_space<vmem>>
      %dma_wait3A_110 = arith.constant 384 : i32
      %dma_wait3A_111 = tpu.memref_slice %arg5[%dma_wait3A_110] : memref<1200xi32, #tpu.memory_space<vmem>> -> memref<128xi32, #tpu.memory_space<vmem>>
      %dma_wait3A_112 = arith.constant 0 : i32
      %dma_wait3A_113 = arith.constant 0 : i32
      %dma_wait3A_114 = tpu.memref_slice %arg3[%dma_wait3A_112, %dma_wait3A_113] : memref<100000x128xf32, #tpu.memory_space<hbm>> -> memref<100000x128xf32, #tpu.memory_space<hbm>>
      tpu.wait_indirect_dma semaphore(%arg10 : memref<!tpu.dma_semaphore, #tpu.memory_space<semaphore_mem>>) src(%dma_wait3A_114 : memref<100000x128xf32, #tpu.memory_space<hbm>>) dst(%dma_wait3A_109 : memref<128x128xf32, #tpu.memory_space<vmem>>)
      %add3A_115 = arith.constant 384 : i32
      %add3A_116 = arith.addi %add3A_8, %add3A_115 : i32
      %dma_start3A_117 = arith.constant 384 : i32
      %dma_start3A_118 = arith.constant 0 : i32
      %dma_start3A_119 = tpu.memref_slice %arg6[%dma_start3A_117, %dma_start3A_118] : memref<640x128xf32, #tpu.memory_space<vmem>> -> memref<128x128xf32, #tpu.memory_space<vmem>>
      %dma_start3A_120 = arith.constant 0 : i32
      %dma_start3A_121 = tpu.memref_slice %arg4[%add3A_116, %dma_start3A_120] : memref<28928x128xf32, #tpu.memory_space<hbm>> -> memref<128x128xf32, #tpu.memory_space<hbm>>
      %dma_start3A_122 = arith.constant 0 : i32
      %dma_start3A_123 = tpu.memref_slice %arg4[%add3A_116, %dma_start3A_122] : memref<28928x128xf32, #tpu.memory_space<hbm>> -> memref<128x128xf32, #tpu.memory_space<hbm>>
      %dma_start3A_124 = arith.constant 384 : i32
      %dma_start3A_125 = arith.constant 0 : i32
      %dma_start3A_126 = tpu.memref_slice %arg6[%dma_start3A_124, %dma_start3A_125] : memref<640x128xf32, #tpu.memory_space<vmem>> -> memref<128x128xf32, #tpu.memory_space<vmem>>
      tpu.enqueue_dma source(%dma_start3A_126 : memref<128x128xf32, #tpu.memory_space<vmem>>) target(%dma_start3A_123 : memref<128x128xf32, #tpu.memory_space<hbm>>) target_semaphore(%arg17 : memref<!tpu.dma_semaphore, #tpu.memory_space<semaphore_mem>>)
      %dma_wait3A_127 = arith.constant 512 : i32
      %dma_wait3A_128 = arith.constant 0 : i32
      %dma_wait3A_129 = tpu.memref_slice %arg6[%dma_wait3A_127, %dma_wait3A_128] : memref<640x128xf32, #tpu.memory_space<vmem>> -> memref<96x128xf32, #tpu.memory_space<vmem>>
      %dma_wait3A_130 = arith.constant 512 : i32
      %dma_wait3A_131 = tpu.memref_slice %arg5[%dma_wait3A_130] : memref<1200xi32, #tpu.memory_space<vmem>> -> memref<96xi32, #tpu.memory_space<vmem>>
      %dma_wait3A_132 = arith.constant 0 : i32
      %dma_wait3A_133 = arith.constant 0 : i32
      %dma_wait3A_134 = tpu.memref_slice %arg3[%dma_wait3A_132, %dma_wait3A_133] : memref<100000x128xf32, #tpu.memory_space<hbm>> -> memref<100000x128xf32, #tpu.memory_space<hbm>>
      tpu.wait_indirect_dma semaphore(%arg11 : memref<!tpu.dma_semaphore, #tpu.memory_space<semaphore_mem>>) src(%dma_wait3A_134 : memref<100000x128xf32, #tpu.memory_space<hbm>>) dst(%dma_wait3A_129 : memref<96x128xf32, #tpu.memory_space<vmem>>)
      %add3A_135 = arith.constant 512 : i32
      %add3A_136 = arith.addi %add3A_8, %add3A_135 : i32
      %dma_start3A_137 = arith.constant 512 : i32
      %dma_start3A_138 = arith.constant 0 : i32
      %dma_start3A_139 = tpu.memref_slice %arg6[%dma_start3A_137, %dma_start3A_138] : memref<640x128xf32, #tpu.memory_space<vmem>> -> memref<96x128xf32, #tpu.memory_space<vmem>>
      %dma_start3A_140 = arith.constant 0 : i32
      %dma_start3A_141 = tpu.memref_slice %arg4[%add3A_136, %dma_start3A_140] : memref<28928x128xf32, #tpu.memory_space<hbm>> -> memref<96x128xf32, #tpu.memory_space<hbm>>
      %dma_start3A_142 = arith.constant 0 : i32
      %dma_start3A_143 = tpu.memref_slice %arg4[%add3A_136, %dma_start3A_142] : memref<28928x128xf32, #tpu.memory_space<hbm>> -> memref<96x128xf32, #tpu.memory_space<hbm>>
      %dma_start3A_144 = arith.constant 512 : i32
      %dma_start3A_145 = arith.constant 0 : i32
      %dma_start3A_146 = tpu.memref_slice %arg6[%dma_start3A_144, %dma_start3A_145] : memref<640x128xf32, #tpu.memory_space<vmem>> -> memref<96x128xf32, #tpu.memory_space<vmem>>
      tpu.enqueue_dma source(%dma_start3A_146 : memref<96x128xf32, #tpu.memory_space<vmem>>) target(%dma_start3A_143 : memref<96x128xf32, #tpu.memory_space<hbm>>) target_semaphore(%arg17 : memref<!tpu.dma_semaphore, #tpu.memory_space<semaphore_mem>>)
      %dma_wait3A_147 = arith.constant 0 : i32
      %dma_wait3A_148 = arith.constant 0 : i32
      %dma_wait3A_149 = tpu.memref_slice %arg6[%dma_wait3A_147, %dma_wait3A_148] : memref<640x128xf32, #tpu.memory_space<vmem>> -> memref<128x128xf32, #tpu.memory_space<vmem>>
      %dma_wait3A_150 = arith.constant 0 : i32
      %dma_wait3A_151 = tpu.memref_slice %arg4[%add3A_56, %dma_wait3A_150] : memref<28928x128xf32, #tpu.memory_space<hbm>> -> memref<128x128xf32, #tpu.memory_space<hbm>>
      %dma_wait3A_152 = arith.constant 0 : i32
      %dma_wait3A_153 = tpu.memref_slice %arg4[%add3A_56, %dma_wait3A_152] : memref<28928x128xf32, #tpu.memory_space<hbm>> -> memref<128x128xf32, #tpu.memory_space<hbm>>
      %dma_wait3A_154 = arith.constant 0 : i32
      %dma_wait3A_155 = arith.constant 0 : i32
      %dma_wait3A_156 = tpu.memref_slice %arg6[%dma_wait3A_154, %dma_wait3A_155] : memref<640x128xf32, #tpu.memory_space<vmem>> -> memref<128x128xf32, #tpu.memory_space<vmem>>
      tpu.wait_dma2 semaphore(%arg17 : memref<!tpu.dma_semaphore, #tpu.memory_space<semaphore_mem>>) src(%dma_wait3A_156 : memref<128x128xf32, #tpu.memory_space<vmem>>) dst(%dma_wait3A_153 : memref<128x128xf32, #tpu.memory_space<hbm>>)
      %dma_wait3A_157 = arith.constant 128 : i32
      %dma_wait3A_158 = arith.constant 0 : i32
      %dma_wait3A_159 = tpu.memref_slice %arg6[%dma_wait3A_157, %dma_wait3A_158] : memref<640x128xf32, #tpu.memory_space<vmem>> -> memref<128x128xf32, #tpu.memory_space<vmem>>
      %dma_wait3A_160 = arith.constant 0 : i32
      %dma_wait3A_161 = tpu.memref_slice %arg4[%add3A_76, %dma_wait3A_160] : memref<28928x128xf32, #tpu.memory_space<hbm>> -> memref<128x128xf32, #tpu.memory_space<hbm>>
      %dma_wait3A_162 = arith.constant 0 : i32
      %dma_wait3A_163 = tpu.memref_slice %arg4[%add3A_76, %dma_wait3A_162] : memref<28928x128xf32, #tpu.memory_space<hbm>> -> memref<128x128xf32, #tpu.memory_space<hbm>>
      %dma_wait3A_164 = arith.constant 128 : i32
      %dma_wait3A_165 = arith.constant 0 : i32
      %dma_wait3A_166 = tpu.memref_slice %arg6[%dma_wait3A_164, %dma_wait3A_165] : memref<640x128xf32, #tpu.memory_space<vmem>> -> memref<128x128xf32, #tpu.memory_space<vmem>>
      tpu.wait_dma2 semaphore(%arg17 : memref<!tpu.dma_semaphore, #tpu.memory_space<semaphore_mem>>) src(%dma_wait3A_166 : memref<128x128xf32, #tpu.memory_space<vmem>>) dst(%dma_wait3A_163 : memref<128x128xf32, #tpu.memory_space<hbm>>)
      %dma_wait3A_167 = arith.constant 256 : i32
      %dma_wait3A_168 = arith.constant 0 : i32
      %dma_wait3A_169 = tpu.memref_slice %arg6[%dma_wait3A_167, %dma_wait3A_168] : memref<640x128xf32, #tpu.memory_space<vmem>> -> memref<128x128xf32, #tpu.memory_space<vmem>>
      %dma_wait3A_170 = arith.constant 0 : i32
      %dma_wait3A_171 = tpu.memref_slice %arg4[%add3A_96, %dma_wait3A_170] : memref<28928x128xf32, #tpu.memory_space<hbm>> -> memref<128x128xf32, #tpu.memory_space<hbm>>
      %dma_wait3A_172 = arith.constant 0 : i32
      %dma_wait3A_173 = tpu.memref_slice %arg4[%add3A_96, %dma_wait3A_172] : memref<28928x128xf32, #tpu.memory_space<hbm>> -> memref<128x128xf32, #tpu.memory_space<hbm>>
      %dma_wait3A_174 = arith.constant 256 : i32
      %dma_wait3A_175 = arith.constant 0 : i32
      %dma_wait3A_176 = tpu.memref_slice %arg6[%dma_wait3A_174, %dma_wait3A_175] : memref<640x128xf32, #tpu.memory_space<vmem>> -> memref<128x128xf32, #tpu.memory_space<vmem>>
      tpu.wait_dma2 semaphore(%arg17 : memref<!tpu.dma_semaphore, #tpu.memory_space<semaphore_mem>>) src(%dma_wait3A_176 : memref<128x128xf32, #tpu.memory_space<vmem>>) dst(%dma_wait3A_173 : memref<128x128xf32, #tpu.memory_space<hbm>>)
      %dma_wait3A_177 = arith.constant 384 : i32
      %dma_wait3A_178 = arith.constant 0 : i32
      %dma_wait3A_179 = tpu.memref_slice %arg6[%dma_wait3A_177, %dma_wait3A_178] : memref<640x128xf32, #tpu.memory_space<vmem>> -> memref<128x128xf32, #tpu.memory_space<vmem>>
      %dma_wait3A_180 = arith.constant 0 : i32
      %dma_wait3A_181 = tpu.memref_slice %arg4[%add3A_116, %dma_wait3A_180] : memref<28928x128xf32, #tpu.memory_space<hbm>> -> memref<128x128xf32, #tpu.memory_space<hbm>>
      %dma_wait3A_182 = arith.constant 0 : i32
      %dma_wait3A_183 = tpu.memref_slice %arg4[%add3A_116, %dma_wait3A_182] : memref<28928x128xf32, #tpu.memory_space<hbm>> -> memref<128x128xf32, #tpu.memory_space<hbm>>
      %dma_wait3A_184 = arith.constant 384 : i32
      %dma_wait3A_185 = arith.constant 0 : i32
      %dma_wait3A_186 = tpu.memref_slice %arg6[%dma_wait3A_184, %dma_wait3A_185] : memref<640x128xf32, #tpu.memory_space<vmem>> -> memref<128x128xf32, #tpu.memory_space<vmem>>
      tpu.wait_dma2 semaphore(%arg17 : memref<!tpu.dma_semaphore, #tpu.memory_space<semaphore_mem>>) src(%dma_wait3A_186 : memref<128x128xf32, #tpu.memory_space<vmem>>) dst(%dma_wait3A_183 : memref<128x128xf32, #tpu.memory_space<hbm>>)
      %dma_wait3A_187 = arith.constant 512 : i32
      %dma_wait3A_188 = arith.constant 0 : i32
      %dma_wait3A_189 = tpu.memref_slice %arg6[%dma_wait3A_187, %dma_wait3A_188] : memref<640x128xf32, #tpu.memory_space<vmem>> -> memref<96x128xf32, #tpu.memory_space<vmem>>
      %dma_wait3A_190 = arith.constant 0 : i32
      %dma_wait3A_191 = tpu.memref_slice %arg4[%add3A_136, %dma_wait3A_190] : memref<28928x128xf32, #tpu.memory_space<hbm>> -> memref<96x128xf32, #tpu.memory_space<hbm>>
      %dma_wait3A_192 = arith.constant 0 : i32
      %dma_wait3A_193 = tpu.memref_slice %arg4[%add3A_136, %dma_wait3A_192] : memref<28928x128xf32, #tpu.memory_space<hbm>> -> memref<96x128xf32, #tpu.memory_space<hbm>>
      %dma_wait3A_194 = arith.constant 512 : i32
      %dma_wait3A_195 = arith.constant 0 : i32
      %dma_wait3A_196 = tpu.memref_slice %arg6[%dma_wait3A_194, %dma_wait3A_195] : memref<640x128xf32, #tpu.memory_space<vmem>> -> memref<96x128xf32, #tpu.memory_space<vmem>>
      tpu.wait_dma2 semaphore(%arg17 : memref<!tpu.dma_semaphore, #tpu.memory_space<semaphore_mem>>) src(%dma_wait3A_196 : memref<96x128xf32, #tpu.memory_space<vmem>>) dst(%dma_wait3A_193 : memref<96x128xf32, #tpu.memory_space<hbm>>)
    } else {
    }
    return
  }
}

module attributes {stable_mosaic.version = 14 : i64} {
  func.func @_tc_body(%arg0: memref<28928x128xf32, #tpu.memory_space<vmem>>, %arg1: memref<128x128xbf16, #tpu.memory_space<vmem>>, %arg2: memref<1x128xf32, #tpu.memory_space<vmem>>, %arg3: memref<384x128xbf16, #tpu.memory_space<vmem>>, %arg4: memref<384x128xbf16, #tpu.memory_space<vmem>>, %arg5: memref<1x384xf32, #tpu.memory_space<vmem>>, %arg6: memref<1x128xf32, #tpu.memory_space<vmem>>, %arg7: memref<384x128xbf16, #tpu.memory_space<vmem>>, %arg8: memref<384x128xbf16, #tpu.memory_space<vmem>>, %arg9: memref<1x384xf32, #tpu.memory_space<vmem>>, %arg10: memref<1x128xf32, #tpu.memory_space<vmem>>, %arg11: memref<104x256xf32, #tpu.memory_space<vmem>>, %arg12: memref<1x104xf32, #tpu.memory_space<vmem>>, %arg13: memref<64x256xf32, #tpu.memory_space<vmem>>, %arg14: memref<64x104xf32, #tpu.memory_space<vmem>>, %arg15: memref<50x64x384xf32, #tpu.memory_space<vmem>>, %arg16: memref<50x64x384xf32, #tpu.memory_space<vmem>>, %arg17: memref<50x64x128xf32, #tpu.memory_space<vmem>>, %arg18: memref<50x64x128xf32, #tpu.memory_space<vmem>>) attributes {dimension_semantics = [], scalar_prefetch = 0 : i64, scratch_operands = 4 : i64, tpu.core_type = #tpu.core_type<tc>} {
    %get3A = arith.constant 0 : index
    %get3A_0 = arith.constant 0 : index
    %get3A_1 = vector.load %arg2[%get3A, %get3A_0] : memref<1x128xf32, #tpu.memory_space<vmem>>, vector<1x128xf32>
    %get3A_2 = arith.constant 0 : index
    %get3A_3 = arith.constant 0 : index
    %get3A_4 = vector.load %arg1[%get3A_2, %get3A_3] : memref<128x128xbf16, #tpu.memory_space<vmem>>, vector<128x128xbf16>
    %get3A_5 = arith.constant 0 : index
    %get3A_6 = arith.constant 0 : index
    %get3A_7 = vector.load %arg0[%get3A_5, %get3A_6] : memref<28928x128xf32, #tpu.memory_space<vmem>>, vector<3200x128xf32>
    %convert_element_type3A = arith.truncf %get3A_7 : vector<3200x128xf32> to vector<3200x128xbf16>
    %dot_general3A = arith.constant dense<0.000000e+00> : vector<3200x128xf32>
    %dot_general3A_8 = tpu.matmul %convert_element_type3A, %get3A_4, %dot_general3A {dimension_numbers = #tpu.dot_dimension_numbers<[1], [1], [0], [0], [0, 0, 1, 0], [], []>, transpose_lhs_hint = false} : vector<3200x128xbf16>, vector<128x128xbf16>, vector<3200x128xf32> -> vector<3200x128xf32>
    %add3A = vector.broadcast %get3A_1 : vector<1x128xf32> to vector<3200x128xf32>
    %add3A_9 = arith.addf %dot_general3A_8, %add3A : vector<3200x128xf32>
    %get3A_10 = arith.constant 3200 : index
    %get3A_11 = arith.constant 0 : index
    %get3A_12 = vector.load %arg0[%get3A_10, %get3A_11] : memref<28928x128xf32, #tpu.memory_space<vmem>>, vector<3200x128xf32>
    %convert_element_type3A_13 = arith.truncf %get3A_12 : vector<3200x128xf32> to vector<3200x128xbf16>
    %dot_general3A_14 = arith.constant dense<0.000000e+00> : vector<3200x128xf32>
    %dot_general3A_15 = tpu.matmul %convert_element_type3A_13, %get3A_4, %dot_general3A_14 {dimension_numbers = #tpu.dot_dimension_numbers<[1], [1], [0], [0], [0, 0, 1, 0], [], []>, transpose_lhs_hint = false} : vector<3200x128xbf16>, vector<128x128xbf16>, vector<3200x128xf32> -> vector<3200x128xf32>
    %add3A_16 = vector.broadcast %get3A_1 : vector<1x128xf32> to vector<3200x128xf32>
    %add3A_17 = arith.addf %dot_general3A_15, %add3A_16 : vector<3200x128xf32>
    %add3A_18 = arith.addf %add3A_9, %add3A_17 : vector<3200x128xf32>
    %get3A_19 = arith.constant 6400 : index
    %get3A_20 = arith.constant 0 : index
    %get3A_21 = vector.load %arg0[%get3A_19, %get3A_20] : memref<28928x128xf32, #tpu.memory_space<vmem>>, vector<3200x128xf32>
    %convert_element_type3A_22 = arith.truncf %get3A_21 : vector<3200x128xf32> to vector<3200x128xbf16>
    %dot_general3A_23 = arith.constant dense<0.000000e+00> : vector<3200x128xf32>
    %dot_general3A_24 = tpu.matmul %convert_element_type3A_22, %get3A_4, %dot_general3A_23 {dimension_numbers = #tpu.dot_dimension_numbers<[1], [1], [0], [0], [0, 0, 1, 0], [], []>, transpose_lhs_hint = false} : vector<3200x128xbf16>, vector<128x128xbf16>, vector<3200x128xf32> -> vector<3200x128xf32>
    %add3A_25 = vector.broadcast %get3A_1 : vector<1x128xf32> to vector<3200x128xf32>
    %add3A_26 = arith.addf %dot_general3A_24, %add3A_25 : vector<3200x128xf32>
    %add3A_27 = arith.addf %add3A_18, %add3A_26 : vector<3200x128xf32>
    %max3A = arith.maximumf %add3A_17, %add3A_26 : vector<3200x128xf32>
    %get3A_28 = arith.constant 9600 : index
    %get3A_29 = arith.constant 0 : index
    %get3A_30 = vector.load %arg0[%get3A_28, %get3A_29] : memref<28928x128xf32, #tpu.memory_space<vmem>>, vector<3200x128xf32>
    %convert_element_type3A_31 = arith.truncf %get3A_30 : vector<3200x128xf32> to vector<3200x128xbf16>
    %dot_general3A_32 = arith.constant dense<0.000000e+00> : vector<3200x128xf32>
    %dot_general3A_33 = tpu.matmul %convert_element_type3A_31, %get3A_4, %dot_general3A_32 {dimension_numbers = #tpu.dot_dimension_numbers<[1], [1], [0], [0], [0, 0, 1, 0], [], []>, transpose_lhs_hint = false} : vector<3200x128xbf16>, vector<128x128xbf16>, vector<3200x128xf32> -> vector<3200x128xf32>
    %add3A_34 = vector.broadcast %get3A_1 : vector<1x128xf32> to vector<3200x128xf32>
    %add3A_35 = arith.addf %dot_general3A_33, %add3A_34 : vector<3200x128xf32>
    %add3A_36 = arith.addf %add3A_27, %add3A_35 : vector<3200x128xf32>
    %max3A_37 = arith.maximumf %max3A, %add3A_35 : vector<3200x128xf32>
    %get3A_38 = arith.constant 12800 : index
    %get3A_39 = arith.constant 0 : index
    %get3A_40 = vector.load %arg0[%get3A_38, %get3A_39] : memref<28928x128xf32, #tpu.memory_space<vmem>>, vector<3200x128xf32>
    %convert_element_type3A_41 = arith.truncf %get3A_40 : vector<3200x128xf32> to vector<3200x128xbf16>
    %dot_general3A_42 = arith.constant dense<0.000000e+00> : vector<3200x128xf32>
    %dot_general3A_43 = tpu.matmul %convert_element_type3A_41, %get3A_4, %dot_general3A_42 {dimension_numbers = #tpu.dot_dimension_numbers<[1], [1], [0], [0], [0, 0, 1, 0], [], []>, transpose_lhs_hint = false} : vector<3200x128xbf16>, vector<128x128xbf16>, vector<3200x128xf32> -> vector<3200x128xf32>
    %add3A_44 = vector.broadcast %get3A_1 : vector<1x128xf32> to vector<3200x128xf32>
    %add3A_45 = arith.addf %dot_general3A_43, %add3A_44 : vector<3200x128xf32>
    %add3A_46 = arith.addf %add3A_36, %add3A_45 : vector<3200x128xf32>
    %max3A_47 = arith.maximumf %max3A_37, %add3A_45 : vector<3200x128xf32>
    %get3A_48 = arith.constant 16000 : index
    %get3A_49 = arith.constant 0 : index
    %get3A_50 = vector.load %arg0[%get3A_48, %get3A_49] : memref<28928x128xf32, #tpu.memory_space<vmem>>, vector<3200x128xf32>
    %convert_element_type3A_51 = arith.truncf %get3A_50 : vector<3200x128xf32> to vector<3200x128xbf16>
    %dot_general3A_52 = arith.constant dense<0.000000e+00> : vector<3200x128xf32>
    %dot_general3A_53 = tpu.matmul %convert_element_type3A_51, %get3A_4, %dot_general3A_52 {dimension_numbers = #tpu.dot_dimension_numbers<[1], [1], [0], [0], [0, 0, 1, 0], [], []>, transpose_lhs_hint = false} : vector<3200x128xbf16>, vector<128x128xbf16>, vector<3200x128xf32> -> vector<3200x128xf32>
    %add3A_54 = vector.broadcast %get3A_1 : vector<1x128xf32> to vector<3200x128xf32>
    %add3A_55 = arith.addf %dot_general3A_53, %add3A_54 : vector<3200x128xf32>
    %add3A_56 = arith.addf %add3A_46, %add3A_55 : vector<3200x128xf32>
    %max3A_57 = arith.maximumf %max3A_47, %add3A_55 : vector<3200x128xf32>
    %get3A_58 = arith.constant 19200 : index
    %get3A_59 = arith.constant 0 : index
    %get3A_60 = vector.load %arg0[%get3A_58, %get3A_59] : memref<28928x128xf32, #tpu.memory_space<vmem>>, vector<3200x128xf32>
    %convert_element_type3A_61 = arith.truncf %get3A_60 : vector<3200x128xf32> to vector<3200x128xbf16>
    %dot_general3A_62 = arith.constant dense<0.000000e+00> : vector<3200x128xf32>
    %dot_general3A_63 = tpu.matmul %convert_element_type3A_61, %get3A_4, %dot_general3A_62 {dimension_numbers = #tpu.dot_dimension_numbers<[1], [1], [0], [0], [0, 0, 1, 0], [], []>, transpose_lhs_hint = false} : vector<3200x128xbf16>, vector<128x128xbf16>, vector<3200x128xf32> -> vector<3200x128xf32>
    %add3A_64 = vector.broadcast %get3A_1 : vector<1x128xf32> to vector<3200x128xf32>
    %add3A_65 = arith.addf %dot_general3A_63, %add3A_64 : vector<3200x128xf32>
    %add3A_66 = arith.addf %add3A_56, %add3A_65 : vector<3200x128xf32>
    %max3A_67 = arith.maximumf %max3A_57, %add3A_65 : vector<3200x128xf32>
    %get3A_68 = arith.constant 22400 : index
    %get3A_69 = arith.constant 0 : index
    %get3A_70 = vector.load %arg0[%get3A_68, %get3A_69] : memref<28928x128xf32, #tpu.memory_space<vmem>>, vector<3200x128xf32>
    %convert_element_type3A_71 = arith.truncf %get3A_70 : vector<3200x128xf32> to vector<3200x128xbf16>
    %dot_general3A_72 = arith.constant dense<0.000000e+00> : vector<3200x128xf32>
    %dot_general3A_73 = tpu.matmul %convert_element_type3A_71, %get3A_4, %dot_general3A_72 {dimension_numbers = #tpu.dot_dimension_numbers<[1], [1], [0], [0], [0, 0, 1, 0], [], []>, transpose_lhs_hint = false} : vector<3200x128xbf16>, vector<128x128xbf16>, vector<3200x128xf32> -> vector<3200x128xf32>
    %add3A_74 = vector.broadcast %get3A_1 : vector<1x128xf32> to vector<3200x128xf32>
    %add3A_75 = arith.addf %dot_general3A_73, %add3A_74 : vector<3200x128xf32>
    %add3A_76 = arith.addf %add3A_66, %add3A_75 : vector<3200x128xf32>
    %max3A_77 = arith.maximumf %max3A_67, %add3A_75 : vector<3200x128xf32>
    %get3A_78 = arith.constant 25600 : index
    %get3A_79 = arith.constant 0 : index
    %get3A_80 = vector.load %arg0[%get3A_78, %get3A_79] : memref<28928x128xf32, #tpu.memory_space<vmem>>, vector<3200x128xf32>
    %convert_element_type3A_81 = arith.truncf %get3A_80 : vector<3200x128xf32> to vector<3200x128xbf16>
    %dot_general3A_82 = arith.constant dense<0.000000e+00> : vector<3200x128xf32>
    %dot_general3A_83 = tpu.matmul %convert_element_type3A_81, %get3A_4, %dot_general3A_82 {dimension_numbers = #tpu.dot_dimension_numbers<[1], [1], [0], [0], [0, 0, 1, 0], [], []>, transpose_lhs_hint = false} : vector<3200x128xbf16>, vector<128x128xbf16>, vector<3200x128xf32> -> vector<3200x128xf32>
    %add3A_84 = vector.broadcast %get3A_1 : vector<1x128xf32> to vector<3200x128xf32>
    %add3A_85 = arith.addf %dot_general3A_83, %add3A_84 : vector<3200x128xf32>
    %add3A_86 = arith.addf %add3A_76, %add3A_85 : vector<3200x128xf32>
    %max3A_87 = arith.maximumf %max3A_77, %add3A_85 : vector<3200x128xf32>
    %max3A_88 = arith.maximumf %add3A_86, %max3A_87 : vector<3200x128xf32>
    %convert_element_type3A_89 = arith.truncf %max3A_88 : vector<3200x128xf32> to vector<3200x128xbf16>
    %get3A_90 = arith.constant 0 : index
    %get3A_91 = arith.constant 0 : index
    %get3A_92 = vector.load %arg3[%get3A_90, %get3A_91] : memref<384x128xbf16, #tpu.memory_space<vmem>>, vector<384x128xbf16>
    %dot_general3A_93 = arith.constant dense<0.000000e+00> : vector<3200x384xf32>
    %dot_general3A_94 = tpu.matmul %convert_element_type3A_89, %get3A_92, %dot_general3A_93 {dimension_numbers = #tpu.dot_dimension_numbers<[1], [1], [0], [0], [0, 0, 1, 0], [], []>, transpose_lhs_hint = false} : vector<3200x128xbf16>, vector<384x128xbf16>, vector<3200x384xf32> -> vector<3200x384xf32>
    %get3A_95 = arith.constant 0 : index
    %get3A_96 = arith.constant 0 : index
    %get3A_97 = vector.load %arg5[%get3A_95, %get3A_96] : memref<1x384xf32, #tpu.memory_space<vmem>>, vector<1x384xf32>
    %add3A_98 = vector.broadcast %get3A_97 : vector<1x384xf32> to vector<3200x384xf32>
    %add3A_99 = arith.addf %dot_general3A_94, %add3A_98 : vector<3200x384xf32>
    %get3A_100 = arith.constant 0 : index
    %get3A_101 = arith.constant 0 : index
    %get3A_102 = vector.load %arg7[%get3A_100, %get3A_101] : memref<384x128xbf16, #tpu.memory_space<vmem>>, vector<384x128xbf16>
    %dot_general3A_103 = arith.constant dense<0.000000e+00> : vector<3200x384xf32>
    %dot_general3A_104 = tpu.matmul %convert_element_type3A_89, %get3A_102, %dot_general3A_103 {dimension_numbers = #tpu.dot_dimension_numbers<[1], [1], [0], [0], [0, 0, 1, 0], [], []>, transpose_lhs_hint = false} : vector<3200x128xbf16>, vector<384x128xbf16>, vector<3200x384xf32> -> vector<3200x384xf32>
    %get3A_105 = arith.constant 0 : index
    %get3A_106 = arith.constant 0 : index
    %get3A_107 = vector.load %arg9[%get3A_105, %get3A_106] : memref<1x384xf32, #tpu.memory_space<vmem>>, vector<1x384xf32>
    %add3A_108 = vector.broadcast %get3A_107 : vector<1x384xf32> to vector<3200x384xf32>
    %add3A_109 = arith.addf %dot_general3A_104, %add3A_108 : vector<3200x384xf32>
    %reshape3A = vector.shape_cast %add3A_99 : vector<3200x384xf32> to vector<50x64x384xf32>
    %swap3A = arith.constant 0 : index
    %swap3A_110 = arith.constant 0 : index
    %swap3A_111 = arith.constant 0 : index
    %swap3A_112 = vector.load %arg15[%swap3A, %swap3A_110, %swap3A_111] : memref<50x64x384xf32, #tpu.memory_space<vmem>>, vector<50x64x384xf32>
    tpu.vector_store %arg15[%swap3A, %swap3A_110, %swap3A_111], %reshape3A {strides = array<i32>} : memref<50x64x384xf32, #tpu.memory_space<vmem>>, vector<50x64x384xf32>,
    %reshape3A_113 = vector.shape_cast %add3A_109 : vector<3200x384xf32> to vector<50x64x384xf32>
    %swap3A_114 = arith.constant 0 : index
    %swap3A_115 = arith.constant 0 : index
    %swap3A_116 = arith.constant 0 : index
    %swap3A_117 = vector.load %arg16[%swap3A_114, %swap3A_115, %swap3A_116] : memref<50x64x384xf32, #tpu.memory_space<vmem>>, vector<50x64x384xf32>
    tpu.vector_store %arg16[%swap3A_114, %swap3A_115, %swap3A_116], %reshape3A_113 {strides = array<i32>} : memref<50x64x384xf32, #tpu.memory_space<vmem>>, vector<50x64x384xf32>,
    %get3A_118 = arith.constant 0 : index
    %get3A_119 = arith.constant 0 : index
    %get3A_120 = vector.load %arg4[%get3A_118, %get3A_119] : memref<384x128xbf16, #tpu.memory_space<vmem>>, vector<384x128xbf16>
    %get3A_121 = arith.constant 0 : index
    %get3A_122 = arith.constant 0 : index
    %get3A_123 = vector.load %arg8[%get3A_121, %get3A_122] : memref<384x128xbf16, #tpu.memory_space<vmem>>, vector<384x128xbf16>
    %get3A_124 = arith.constant 0 : index
    %get3A_125 = arith.constant 0 : index
    %get3A_126 = vector.load %arg6[%get3A_124, %get3A_125] : memref<1x128xf32, #tpu.memory_space<vmem>>, vector<1x128xf32>
    %get3A_127 = arith.constant 0 : index
    %get3A_128 = arith.constant 0 : index
    %get3A_129 = vector.load %arg10[%get3A_127, %get3A_128] : memref<1x128xf32, #tpu.memory_space<vmem>>, vector<1x128xf32>
    %broadcast_in_dim3A = arith.constant 0.000000e+00 : f32
    %broadcast_in_dim3A_130 = vector.broadcast %broadcast_in_dim3A : f32 to vector<64x128xf32>
    %scan3A = arith.constant 0 : i32
    %scan3A_131 = arith.constant 25 : i32
    %scan3A_132 = arith.addi %scan3A, %scan3A_131 : i32
    %scan3A_133 = arith.constant 1 : i32
    %scan3A_134:2 = scf.for %scan3A_750 = %scan3A to %scan3A_132 step %scan3A_133 iter_args(%scan3A_751 = %broadcast_in_dim3A_130, %scan3A_752 = %broadcast_in_dim3A_130) -> (vector<64x128xf32>, vector<64x128xf32>)  : i32 {
      %mul3A = arith.constant 2 : i32
      %mul3A_753 = arith.muli %mul3A, %scan3A_750 : i32
      %get3A_754 = arith.index_cast %mul3A_753 : i32 to index
      %get3A_755 = arith.constant 0 : index
      %get3A_756 = arith.constant 0 : index
      %get3A_757 = vector.load %arg15[%get3A_754, %get3A_755, %get3A_756] : memref<50x64x384xf32, #tpu.memory_space<vmem>>, vector<1x64x384xf32>
      %get3A_758 = vector.shape_cast %get3A_757 : vector<1x64x384xf32> to vector<64x384xf32>
      %sub3A = arith.constant 49 : i32
      %sub3A_759 = arith.subi %sub3A, %mul3A_753 : i32
      %get3A_760 = arith.index_cast %sub3A_759 : i32 to index
      %get3A_761 = arith.constant 0 : index
      %get3A_762 = arith.constant 0 : index
      %get3A_763 = vector.load %arg16[%get3A_760, %get3A_761, %get3A_762] : memref<50x64x384xf32, #tpu.memory_space<vmem>>, vector<1x64x384xf32>
      %get3A_764 = vector.shape_cast %get3A_763 : vector<1x64x384xf32> to vector<64x384xf32>
      %convert_element_type3A_765 = arith.truncf %scan3A_751 : vector<64x128xf32> to vector<64x128xbf16>
      %dot_general3A_766 = arith.constant dense<0.000000e+00> : vector<64x384xf32>
      %dot_general3A_767 = tpu.matmul %convert_element_type3A_765, %get3A_120, %dot_general3A_766 {dimension_numbers = #tpu.dot_dimension_numbers<[1], [1], [0], [0], [0, 0, 1, 0], [], []>, transpose_lhs_hint = false} : vector<64x128xbf16>, vector<384x128xbf16>, vector<64x384xf32> -> vector<64x384xf32>
      %convert_element_type3A_768 = arith.truncf %scan3A_752 : vector<64x128xf32> to vector<64x128xbf16>
      %dot_general3A_769 = arith.constant dense<0.000000e+00> : vector<64x384xf32>
      %dot_general3A_770 = tpu.matmul %convert_element_type3A_768, %get3A_123, %dot_general3A_769 {dimension_numbers = #tpu.dot_dimension_numbers<[1], [1], [0], [0], [0, 0, 1, 0], [], []>, transpose_lhs_hint = false} : vector<64x128xbf16>, vector<384x128xbf16>, vector<64x384xf32> -> vector<64x384xf32>
      %slice3A = vector.extract_strided_slice %get3A_758 {offsets = [0, 0], sizes = [64, 128], strides = [1, 1]} : vector<64x384xf32> to vector<64x128xf32>
      %slice3A_771 = vector.extract_strided_slice %dot_general3A_767 {offsets = [0, 0], sizes = [64, 128], strides = [1, 1]} : vector<64x384xf32> to vector<64x128xf32>
      %add3A_772 = arith.addf %slice3A, %slice3A_771 : vector<64x128xf32>
      %mul3A_773 = arith.constant 5.000000e-01 : f32
      %mul3A_774 = vector.broadcast %mul3A_773 : f32 to vector<64x128xf32>
      %mul3A_775 = arith.mulf %mul3A_774, %add3A_772 : vector<64x128xf32>
      %tanh3A = math.tanh %mul3A_775 : vector<64x128xf32>
      %mul3A_776 = arith.constant 5.000000e-01 : f32
      %mul3A_777 = vector.broadcast %mul3A_776 : f32 to vector<64x128xf32>
      %mul3A_778 = arith.mulf %mul3A_777, %tanh3A : vector<64x128xf32>
      %add3A_779 = arith.constant 5.000000e-01 : f32
      %add3A_780 = vector.broadcast %add3A_779 : f32 to vector<64x128xf32>
      %add3A_781 = arith.addf %mul3A_778, %add3A_780 : vector<64x128xf32>
      %slice3A_782 = vector.extract_strided_slice %get3A_758 {offsets = [0, 128], sizes = [64, 128], strides = [1, 1]} : vector<64x384xf32> to vector<64x128xf32>
      %slice3A_783 = vector.extract_strided_slice %dot_general3A_767 {offsets = [0, 128], sizes = [64, 128], strides = [1, 1]} : vector<64x384xf32> to vector<64x128xf32>
      %add3A_784 = arith.addf %slice3A_782, %slice3A_783 : vector<64x128xf32>
      %mul3A_785 = arith.constant 5.000000e-01 : f32
      %mul3A_786 = vector.broadcast %mul3A_785 : f32 to vector<64x128xf32>
      %mul3A_787 = arith.mulf %mul3A_786, %add3A_784 : vector<64x128xf32>
      %tanh3A_788 = math.tanh %mul3A_787 : vector<64x128xf32>
      %mul3A_789 = arith.constant 5.000000e-01 : f32
      %mul3A_790 = vector.broadcast %mul3A_789 : f32 to vector<64x128xf32>
      %mul3A_791 = arith.mulf %mul3A_790, %tanh3A_788 : vector<64x128xf32>
      %add3A_792 = arith.constant 5.000000e-01 : f32
      %add3A_793 = vector.broadcast %add3A_792 : f32 to vector<64x128xf32>
      %add3A_794 = arith.addf %mul3A_791, %add3A_793 : vector<64x128xf32>
      %slice3A_795 = vector.extract_strided_slice %get3A_758 {offsets = [0, 256], sizes = [64, 128], strides = [1, 1]} : vector<64x384xf32> to vector<64x128xf32>
      %slice3A_796 = vector.extract_strided_slice %dot_general3A_767 {offsets = [0, 256], sizes = [64, 128], strides = [1, 1]} : vector<64x384xf32> to vector<64x128xf32>
      %add3A_797 = vector.broadcast %get3A_126 : vector<1x128xf32> to vector<64x128xf32>
      %add3A_798 = arith.addf %slice3A_796, %add3A_797 : vector<64x128xf32>
      %mul3A_799 = arith.mulf %add3A_781, %add3A_798 : vector<64x128xf32>
      %add3A_800 = arith.addf %slice3A_795, %mul3A_799 : vector<64x128xf32>
      %tanh3A_801 = math.tanh %add3A_800 : vector<64x128xf32>
      %sub3A_802 = arith.subf %scan3A_751, %tanh3A_801 : vector<64x128xf32>
      %mul3A_803 = arith.mulf %add3A_794, %sub3A_802 : vector<64x128xf32>
      %add3A_804 = arith.addf %tanh3A_801, %mul3A_803 : vector<64x128xf32>
      %slice3A_805 = vector.extract_strided_slice %get3A_764 {offsets = [0, 0], sizes = [64, 128], strides = [1, 1]} : vector<64x384xf32> to vector<64x128xf32>
      %slice3A_806 = vector.extract_strided_slice %dot_general3A_770 {offsets = [0, 0], sizes = [64, 128], strides = [1, 1]} : vector<64x384xf32> to vector<64x128xf32>
      %add3A_807 = arith.addf %slice3A_805, %slice3A_806 : vector<64x128xf32>
      %mul3A_808 = arith.constant 5.000000e-01 : f32
      %mul3A_809 = vector.broadcast %mul3A_808 : f32 to vector<64x128xf32>
      %mul3A_810 = arith.mulf %mul3A_809, %add3A_807 : vector<64x128xf32>
      %tanh3A_811 = math.tanh %mul3A_810 : vector<64x128xf32>
      %mul3A_812 = arith.constant 5.000000e-01 : f32
      %mul3A_813 = vector.broadcast %mul3A_812 : f32 to vector<64x128xf32>
      %mul3A_814 = arith.mulf %mul3A_813, %tanh3A_811 : vector<64x128xf32>
      %add3A_815 = arith.constant 5.000000e-01 : f32
      %add3A_816 = vector.broadcast %add3A_815 : f32 to vector<64x128xf32>
      %add3A_817 = arith.addf %mul3A_814, %add3A_816 : vector<64x128xf32>
      %slice3A_818 = vector.extract_strided_slice %get3A_764 {offsets = [0, 128], sizes = [64, 128], strides = [1, 1]} : vector<64x384xf32> to vector<64x128xf32>
      %slice3A_819 = vector.extract_strided_slice %dot_general3A_770 {offsets = [0, 128], sizes = [64, 128], strides = [1, 1]} : vector<64x384xf32> to vector<64x128xf32>
      %add3A_820 = arith.addf %slice3A_818, %slice3A_819 : vector<64x128xf32>
      %mul3A_821 = arith.constant 5.000000e-01 : f32
      %mul3A_822 = vector.broadcast %mul3A_821 : f32 to vector<64x128xf32>
      %mul3A_823 = arith.mulf %mul3A_822, %add3A_820 : vector<64x128xf32>
      %tanh3A_824 = math.tanh %mul3A_823 : vector<64x128xf32>
      %mul3A_825 = arith.constant 5.000000e-01 : f32
      %mul3A_826 = vector.broadcast %mul3A_825 : f32 to vector<64x128xf32>
      %mul3A_827 = arith.mulf %mul3A_826, %tanh3A_824 : vector<64x128xf32>
      %add3A_828 = arith.constant 5.000000e-01 : f32
      %add3A_829 = vector.broadcast %add3A_828 : f32 to vector<64x128xf32>
      %add3A_830 = arith.addf %mul3A_827, %add3A_829 : vector<64x128xf32>
      %slice3A_831 = vector.extract_strided_slice %get3A_764 {offsets = [0, 256], sizes = [64, 128], strides = [1, 1]} : vector<64x384xf32> to vector<64x128xf32>
      %slice3A_832 = vector.extract_strided_slice %dot_general3A_770 {offsets = [0, 256], sizes = [64, 128], strides = [1, 1]} : vector<64x384xf32> to vector<64x128xf32>
      %add3A_833 = vector.broadcast %get3A_129 : vector<1x128xf32> to vector<64x128xf32>
      %add3A_834 = arith.addf %slice3A_832, %add3A_833 : vector<64x128xf32>
      %mul3A_835 = arith.mulf %add3A_817, %add3A_834 : vector<64x128xf32>
      %add3A_836 = arith.addf %slice3A_831, %mul3A_835 : vector<64x128xf32>
      %tanh3A_837 = math.tanh %add3A_836 : vector<64x128xf32>
      %sub3A_838 = arith.subf %scan3A_752, %tanh3A_837 : vector<64x128xf32>
      %mul3A_839 = arith.mulf %add3A_830, %sub3A_838 : vector<64x128xf32>
      %add3A_840 = arith.addf %tanh3A_837, %mul3A_839 : vector<64x128xf32>
      %swap3A_841 = arith.index_cast %mul3A_753 : i32 to index
      %swap3A_842 = arith.constant 0 : index
      %swap3A_843 = arith.constant 0 : index
      %swap3A_844 = vector.load %arg17[%swap3A_841, %swap3A_842, %swap3A_843] : memref<50x64x128xf32, #tpu.memory_space<vmem>>, vector<1x64x128xf32>
      %swap3A_845 = vector.shape_cast %swap3A_844 : vector<1x64x128xf32> to vector<64x128xf32>
      %swap3A_846 = vector.shape_cast %add3A_804 : vector<64x128xf32> to vector<1x64x128xf32>
      tpu.vector_store %arg17[%swap3A_841, %swap3A_842, %swap3A_843], %swap3A_846 {strides = array<i32>} : memref<50x64x128xf32, #tpu.memory_space<vmem>>, vector<1x64x128xf32>,
      %swap3A_847 = arith.index_cast %mul3A_753 : i32 to index
      %swap3A_848 = arith.constant 0 : index
      %swap3A_849 = arith.constant 0 : index
      %swap3A_850 = vector.load %arg18[%swap3A_847, %swap3A_848, %swap3A_849] : memref<50x64x128xf32, #tpu.memory_space<vmem>>, vector<1x64x128xf32>
      %swap3A_851 = vector.shape_cast %swap3A_850 : vector<1x64x128xf32> to vector<64x128xf32>
      %swap3A_852 = vector.shape_cast %add3A_840 : vector<64x128xf32> to vector<1x64x128xf32>
      tpu.vector_store %arg18[%swap3A_847, %swap3A_848, %swap3A_849], %swap3A_852 {strides = array<i32>} : memref<50x64x128xf32, #tpu.memory_space<vmem>>, vector<1x64x128xf32>,
      %mul3A_853 = arith.constant 2 : i32
      %mul3A_854 = arith.muli %mul3A_853, %scan3A_750 : i32
      %add3A_855 = arith.constant 1 : i32
      %add3A_856 = arith.addi %mul3A_854, %add3A_855 : i32
      %get3A_857 = arith.index_cast %add3A_856 : i32 to index
      %get3A_858 = arith.constant 0 : index
      %get3A_859 = arith.constant 0 : index
      %get3A_860 = vector.load %arg15[%get3A_857, %get3A_858, %get3A_859] : memref<50x64x384xf32, #tpu.memory_space<vmem>>, vector<1x64x384xf32>
      %get3A_861 = vector.shape_cast %get3A_860 : vector<1x64x384xf32> to vector<64x384xf32>
      %sub3A_862 = arith.constant 49 : i32
      %sub3A_863 = arith.subi %sub3A_862, %add3A_856 : i32
      %get3A_864 = arith.index_cast %sub3A_863 : i32 to index
      %get3A_865 = arith.constant 0 : index
      %get3A_866 = arith.constant 0 : index
      %get3A_867 = vector.load %arg16[%get3A_864, %get3A_865, %get3A_866] : memref<50x64x384xf32, #tpu.memory_space<vmem>>, vector<1x64x384xf32>
      %get3A_868 = vector.shape_cast %get3A_867 : vector<1x64x384xf32> to vector<64x384xf32>
      %convert_element_type3A_869 = arith.truncf %add3A_804 : vector<64x128xf32> to vector<64x128xbf16>
      %dot_general3A_870 = arith.constant dense<0.000000e+00> : vector<64x384xf32>
      %dot_general3A_871 = tpu.matmul %convert_element_type3A_869, %get3A_120, %dot_general3A_870 {dimension_numbers = #tpu.dot_dimension_numbers<[1], [1], [0], [0], [0, 0, 1, 0], [], []>, transpose_lhs_hint = false} : vector<64x128xbf16>, vector<384x128xbf16>, vector<64x384xf32> -> vector<64x384xf32>
      %convert_element_type3A_872 = arith.truncf %add3A_840 : vector<64x128xf32> to vector<64x128xbf16>
      %dot_general3A_873 = arith.constant dense<0.000000e+00> : vector<64x384xf32>
      %dot_general3A_874 = tpu.matmul %convert_element_type3A_872, %get3A_123, %dot_general3A_873 {dimension_numbers = #tpu.dot_dimension_numbers<[1], [1], [0], [0], [0, 0, 1, 0], [], []>, transpose_lhs_hint = false} : vector<64x128xbf16>, vector<384x128xbf16>, vector<64x384xf32> -> vector<64x384xf32>
      %slice3A_875 = vector.extract_strided_slice %get3A_861 {offsets = [0, 0], sizes = [64, 128], strides = [1, 1]} : vector<64x384xf32> to vector<64x128xf32>
      %slice3A_876 = vector.extract_strided_slice %dot_general3A_871 {offsets = [0, 0], sizes = [64, 128], strides = [1, 1]} : vector<64x384xf32> to vector<64x128xf32>
      %add3A_877 = arith.addf %slice3A_875, %slice3A_876 : vector<64x128xf32>
      %mul3A_878 = arith.constant 5.000000e-01 : f32
      %mul3A_879 = vector.broadcast %mul3A_878 : f32 to vector<64x128xf32>
      %mul3A_880 = arith.mulf %mul3A_879, %add3A_877 : vector<64x128xf32>
      %tanh3A_881 = math.tanh %mul3A_880 : vector<64x128xf32>
      %mul3A_882 = arith.constant 5.000000e-01 : f32
      %mul3A_883 = vector.broadcast %mul3A_882 : f32 to vector<64x128xf32>
      %mul3A_884 = arith.mulf %mul3A_883, %tanh3A_881 : vector<64x128xf32>
      %add3A_885 = arith.constant 5.000000e-01 : f32
      %add3A_886 = vector.broadcast %add3A_885 : f32 to vector<64x128xf32>
      %add3A_887 = arith.addf %mul3A_884, %add3A_886 : vector<64x128xf32>
      %slice3A_888 = vector.extract_strided_slice %get3A_861 {offsets = [0, 128], sizes = [64, 128], strides = [1, 1]} : vector<64x384xf32> to vector<64x128xf32>
      %slice3A_889 = vector.extract_strided_slice %dot_general3A_871 {offsets = [0, 128], sizes = [64, 128], strides = [1, 1]} : vector<64x384xf32> to vector<64x128xf32>
      %add3A_890 = arith.addf %slice3A_888, %slice3A_889 : vector<64x128xf32>
      %mul3A_891 = arith.constant 5.000000e-01 : f32
      %mul3A_892 = vector.broadcast %mul3A_891 : f32 to vector<64x128xf32>
      %mul3A_893 = arith.mulf %mul3A_892, %add3A_890 : vector<64x128xf32>
      %tanh3A_894 = math.tanh %mul3A_893 : vector<64x128xf32>
      %mul3A_895 = arith.constant 5.000000e-01 : f32
      %mul3A_896 = vector.broadcast %mul3A_895 : f32 to vector<64x128xf32>
      %mul3A_897 = arith.mulf %mul3A_896, %tanh3A_894 : vector<64x128xf32>
      %add3A_898 = arith.constant 5.000000e-01 : f32
      %add3A_899 = vector.broadcast %add3A_898 : f32 to vector<64x128xf32>
      %add3A_900 = arith.addf %mul3A_897, %add3A_899 : vector<64x128xf32>
      %slice3A_901 = vector.extract_strided_slice %get3A_861 {offsets = [0, 256], sizes = [64, 128], strides = [1, 1]} : vector<64x384xf32> to vector<64x128xf32>
      %slice3A_902 = vector.extract_strided_slice %dot_general3A_871 {offsets = [0, 256], sizes = [64, 128], strides = [1, 1]} : vector<64x384xf32> to vector<64x128xf32>
      %add3A_903 = vector.broadcast %get3A_126 : vector<1x128xf32> to vector<64x128xf32>
      %add3A_904 = arith.addf %slice3A_902, %add3A_903 : vector<64x128xf32>
      %mul3A_905 = arith.mulf %add3A_887, %add3A_904 : vector<64x128xf32>
      %add3A_906 = arith.addf %slice3A_901, %mul3A_905 : vector<64x128xf32>
      %tanh3A_907 = math.tanh %add3A_906 : vector<64x128xf32>
      %sub3A_908 = arith.subf %add3A_804, %tanh3A_907 : vector<64x128xf32>
      %mul3A_909 = arith.mulf %add3A_900, %sub3A_908 : vector<64x128xf32>
      %add3A_910 = arith.addf %tanh3A_907, %mul3A_909 : vector<64x128xf32>
      %slice3A_911 = vector.extract_strided_slice %get3A_868 {offsets = [0, 0], sizes = [64, 128], strides = [1, 1]} : vector<64x384xf32> to vector<64x128xf32>
      %slice3A_912 = vector.extract_strided_slice %dot_general3A_874 {offsets = [0, 0], sizes = [64, 128], strides = [1, 1]} : vector<64x384xf32> to vector<64x128xf32>
      %add3A_913 = arith.addf %slice3A_911, %slice3A_912 : vector<64x128xf32>
      %mul3A_914 = arith.constant 5.000000e-01 : f32
      %mul3A_915 = vector.broadcast %mul3A_914 : f32 to vector<64x128xf32>
      %mul3A_916 = arith.mulf %mul3A_915, %add3A_913 : vector<64x128xf32>
      %tanh3A_917 = math.tanh %mul3A_916 : vector<64x128xf32>
      %mul3A_918 = arith.constant 5.000000e-01 : f32
      %mul3A_919 = vector.broadcast %mul3A_918 : f32 to vector<64x128xf32>
      %mul3A_920 = arith.mulf %mul3A_919, %tanh3A_917 : vector<64x128xf32>
      %add3A_921 = arith.constant 5.000000e-01 : f32
      %add3A_922 = vector.broadcast %add3A_921 : f32 to vector<64x128xf32>
      %add3A_923 = arith.addf %mul3A_920, %add3A_922 : vector<64x128xf32>
      %slice3A_924 = vector.extract_strided_slice %get3A_868 {offsets = [0, 128], sizes = [64, 128], strides = [1, 1]} : vector<64x384xf32> to vector<64x128xf32>
      %slice3A_925 = vector.extract_strided_slice %dot_general3A_874 {offsets = [0, 128], sizes = [64, 128], strides = [1, 1]} : vector<64x384xf32> to vector<64x128xf32>
      %add3A_926 = arith.addf %slice3A_924, %slice3A_925 : vector<64x128xf32>
      %mul3A_927 = arith.constant 5.000000e-01 : f32
      %mul3A_928 = vector.broadcast %mul3A_927 : f32 to vector<64x128xf32>
      %mul3A_929 = arith.mulf %mul3A_928, %add3A_926 : vector<64x128xf32>
      %tanh3A_930 = math.tanh %mul3A_929 : vector<64x128xf32>
      %mul3A_931 = arith.constant 5.000000e-01 : f32
      %mul3A_932 = vector.broadcast %mul3A_931 : f32 to vector<64x128xf32>
      %mul3A_933 = arith.mulf %mul3A_932, %tanh3A_930 : vector<64x128xf32>
      %add3A_934 = arith.constant 5.000000e-01 : f32
      %add3A_935 = vector.broadcast %add3A_934 : f32 to vector<64x128xf32>
      %add3A_936 = arith.addf %mul3A_933, %add3A_935 : vector<64x128xf32>
      %slice3A_937 = vector.extract_strided_slice %get3A_868 {offsets = [0, 256], sizes = [64, 128], strides = [1, 1]} : vector<64x384xf32> to vector<64x128xf32>
      %slice3A_938 = vector.extract_strided_slice %dot_general3A_874 {offsets = [0, 256], sizes = [64, 128], strides = [1, 1]} : vector<64x384xf32> to vector<64x128xf32>
      %add3A_939 = vector.broadcast %get3A_129 : vector<1x128xf32> to vector<64x128xf32>
      %add3A_940 = arith.addf %slice3A_938, %add3A_939 : vector<64x128xf32>
      %mul3A_941 = arith.mulf %add3A_923, %add3A_940 : vector<64x128xf32>
      %add3A_942 = arith.addf %slice3A_937, %mul3A_941 : vector<64x128xf32>
      %tanh3A_943 = math.tanh %add3A_942 : vector<64x128xf32>
      %sub3A_944 = arith.subf %add3A_840, %tanh3A_943 : vector<64x128xf32>
      %mul3A_945 = arith.mulf %add3A_936, %sub3A_944 : vector<64x128xf32>
      %add3A_946 = arith.addf %tanh3A_943, %mul3A_945 : vector<64x128xf32>
      %swap3A_947 = arith.index_cast %add3A_856 : i32 to index
      %swap3A_948 = arith.constant 0 : index
      %swap3A_949 = arith.constant 0 : index
      %swap3A_950 = vector.load %arg17[%swap3A_947, %swap3A_948, %swap3A_949] : memref<50x64x128xf32, #tpu.memory_space<vmem>>, vector<1x64x128xf32>
      %swap3A_951 = vector.shape_cast %swap3A_950 : vector<1x64x128xf32> to vector<64x128xf32>
      %swap3A_952 = vector.shape_cast %add3A_910 : vector<64x128xf32> to vector<1x64x128xf32>
      tpu.vector_store %arg17[%swap3A_947, %swap3A_948, %swap3A_949], %swap3A_952 {strides = array<i32>} : memref<50x64x128xf32, #tpu.memory_space<vmem>>, vector<1x64x128xf32>,
      %swap3A_953 = arith.index_cast %add3A_856 : i32 to index
      %swap3A_954 = arith.constant 0 : index
      %swap3A_955 = arith.constant 0 : index
      %swap3A_956 = vector.load %arg18[%swap3A_953, %swap3A_954, %swap3A_955] : memref<50x64x128xf32, #tpu.memory_space<vmem>>, vector<1x64x128xf32>
      %swap3A_957 = vector.shape_cast %swap3A_956 : vector<1x64x128xf32> to vector<64x128xf32>
      %swap3A_958 = vector.shape_cast %add3A_946 : vector<64x128xf32> to vector<1x64x128xf32>
      tpu.vector_store %arg18[%swap3A_953, %swap3A_954, %swap3A_955], %swap3A_958 {strides = array<i32>} : memref<50x64x128xf32, #tpu.memory_space<vmem>>, vector<1x64x128xf32>,
      scf.yield %add3A_910, %add3A_946 : vector<64x128xf32>, vector<64x128xf32>
    }
    %scan3A_135 = arith.constant 25 : i32
    %get3A_136 = arith.constant 0 : index
    %get3A_137 = arith.constant 0 : index
    %get3A_138 = arith.constant 0 : index
    %get3A_139 = vector.load %arg17[%get3A_136, %get3A_137, %get3A_138] : memref<50x64x128xf32, #tpu.memory_space<vmem>>, vector<1x64x128xf32>
    %get3A_140 = vector.shape_cast %get3A_139 : vector<1x64x128xf32> to vector<64x128xf32>
    %get3A_141 = arith.constant 0 : index
    %get3A_142 = arith.constant 0 : index
    %get3A_143 = arith.constant 0 : index
    %get3A_144 = vector.load %arg18[%get3A_141, %get3A_142, %get3A_143] : memref<50x64x128xf32, #tpu.memory_space<vmem>>, vector<1x64x128xf32>
    %get3A_145 = vector.shape_cast %get3A_144 : vector<1x64x128xf32> to vector<64x128xf32>
    %get3A_146 = arith.constant 1 : index
    %get3A_147 = arith.constant 0 : index
    %get3A_148 = arith.constant 0 : index
    %get3A_149 = vector.load %arg17[%get3A_146, %get3A_147, %get3A_148] : memref<50x64x128xf32, #tpu.memory_space<vmem>>, vector<1x64x128xf32>
    %get3A_150 = vector.shape_cast %get3A_149 : vector<1x64x128xf32> to vector<64x128xf32>
    %max3A_151 = arith.maximumf %get3A_140, %get3A_150 : vector<64x128xf32>
    %get3A_152 = arith.constant 1 : index
    %get3A_153 = arith.constant 0 : index
    %get3A_154 = arith.constant 0 : index
    %get3A_155 = vector.load %arg18[%get3A_152, %get3A_153, %get3A_154] : memref<50x64x128xf32, #tpu.memory_space<vmem>>, vector<1x64x128xf32>
    %get3A_156 = vector.shape_cast %get3A_155 : vector<1x64x128xf32> to vector<64x128xf32>
    %max3A_157 = arith.maximumf %get3A_145, %get3A_156 : vector<64x128xf32>
    %get3A_158 = arith.constant 2 : index
    %get3A_159 = arith.constant 0 : index
    %get3A_160 = arith.constant 0 : index
    %get3A_161 = vector.load %arg17[%get3A_158, %get3A_159, %get3A_160] : memref<50x64x128xf32, #tpu.memory_space<vmem>>, vector<1x64x128xf32>
    %get3A_162 = vector.shape_cast %get3A_161 : vector<1x64x128xf32> to vector<64x128xf32>
    %max3A_163 = arith.maximumf %max3A_151, %get3A_162 : vector<64x128xf32>
    %get3A_164 = arith.constant 2 : index
    %get3A_165 = arith.constant 0 : index
    %get3A_166 = arith.constant 0 : index
    %get3A_167 = vector.load %arg18[%get3A_164, %get3A_165, %get3A_166] : memref<50x64x128xf32, #tpu.memory_space<vmem>>, vector<1x64x128xf32>
    %get3A_168 = vector.shape_cast %get3A_167 : vector<1x64x128xf32> to vector<64x128xf32>
    %max3A_169 = arith.maximumf %max3A_157, %get3A_168 : vector<64x128xf32>
    %get3A_170 = arith.constant 3 : index
    %get3A_171 = arith.constant 0 : index
    %get3A_172 = arith.constant 0 : index
    %get3A_173 = vector.load %arg17[%get3A_170, %get3A_171, %get3A_172] : memref<50x64x128xf32, #tpu.memory_space<vmem>>, vector<1x64x128xf32>
    %get3A_174 = vector.shape_cast %get3A_173 : vector<1x64x128xf32> to vector<64x128xf32>
    %max3A_175 = arith.maximumf %max3A_163, %get3A_174 : vector<64x128xf32>
    %get3A_176 = arith.constant 3 : index
    %get3A_177 = arith.constant 0 : index
    %get3A_178 = arith.constant 0 : index
    %get3A_179 = vector.load %arg18[%get3A_176, %get3A_177, %get3A_178] : memref<50x64x128xf32, #tpu.memory_space<vmem>>, vector<1x64x128xf32>
    %get3A_180 = vector.shape_cast %get3A_179 : vector<1x64x128xf32> to vector<64x128xf32>
    %max3A_181 = arith.maximumf %max3A_169, %get3A_180 : vector<64x128xf32>
    %get3A_182 = arith.constant 4 : index
    %get3A_183 = arith.constant 0 : index
    %get3A_184 = arith.constant 0 : index
    %get3A_185 = vector.load %arg17[%get3A_182, %get3A_183, %get3A_184] : memref<50x64x128xf32, #tpu.memory_space<vmem>>, vector<1x64x128xf32>
    %get3A_186 = vector.shape_cast %get3A_185 : vector<1x64x128xf32> to vector<64x128xf32>
    %max3A_187 = arith.maximumf %max3A_175, %get3A_186 : vector<64x128xf32>
    %get3A_188 = arith.constant 4 : index
    %get3A_189 = arith.constant 0 : index
    %get3A_190 = arith.constant 0 : index
    %get3A_191 = vector.load %arg18[%get3A_188, %get3A_189, %get3A_190] : memref<50x64x128xf32, #tpu.memory_space<vmem>>, vector<1x64x128xf32>
    %get3A_192 = vector.shape_cast %get3A_191 : vector<1x64x128xf32> to vector<64x128xf32>
    %max3A_193 = arith.maximumf %max3A_181, %get3A_192 : vector<64x128xf32>
    %get3A_194 = arith.constant 5 : index
    %get3A_195 = arith.constant 0 : index
    %get3A_196 = arith.constant 0 : index
    %get3A_197 = vector.load %arg17[%get3A_194, %get3A_195, %get3A_196] : memref<50x64x128xf32, #tpu.memory_space<vmem>>, vector<1x64x128xf32>
    %get3A_198 = vector.shape_cast %get3A_197 : vector<1x64x128xf32> to vector<64x128xf32>
    %max3A_199 = arith.maximumf %max3A_187, %get3A_198 : vector<64x128xf32>
    %get3A_200 = arith.constant 5 : index
    %get3A_201 = arith.constant 0 : index
    %get3A_202 = arith.constant 0 : index
    %get3A_203 = vector.load %arg18[%get3A_200, %get3A_201, %get3A_202] : memref<50x64x128xf32, #tpu.memory_space<vmem>>, vector<1x64x128xf32>
    %get3A_204 = vector.shape_cast %get3A_203 : vector<1x64x128xf32> to vector<64x128xf32>
    %max3A_205 = arith.maximumf %max3A_193, %get3A_204 : vector<64x128xf32>
    %get3A_206 = arith.constant 6 : index
    %get3A_207 = arith.constant 0 : index
    %get3A_208 = arith.constant 0 : index
    %get3A_209 = vector.load %arg17[%get3A_206, %get3A_207, %get3A_208] : memref<50x64x128xf32, #tpu.memory_space<vmem>>, vector<1x64x128xf32>
    %get3A_210 = vector.shape_cast %get3A_209 : vector<1x64x128xf32> to vector<64x128xf32>
    %max3A_211 = arith.maximumf %max3A_199, %get3A_210 : vector<64x128xf32>
    %get3A_212 = arith.constant 6 : index
    %get3A_213 = arith.constant 0 : index
    %get3A_214 = arith.constant 0 : index
    %get3A_215 = vector.load %arg18[%get3A_212, %get3A_213, %get3A_214] : memref<50x64x128xf32, #tpu.memory_space<vmem>>, vector<1x64x128xf32>
    %get3A_216 = vector.shape_cast %get3A_215 : vector<1x64x128xf32> to vector<64x128xf32>
    %max3A_217 = arith.maximumf %max3A_205, %get3A_216 : vector<64x128xf32>
    %get3A_218 = arith.constant 7 : index
    %get3A_219 = arith.constant 0 : index
    %get3A_220 = arith.constant 0 : index
    %get3A_221 = vector.load %arg17[%get3A_218, %get3A_219, %get3A_220] : memref<50x64x128xf32, #tpu.memory_space<vmem>>, vector<1x64x128xf32>
    %get3A_222 = vector.shape_cast %get3A_221 : vector<1x64x128xf32> to vector<64x128xf32>
    %max3A_223 = arith.maximumf %max3A_211, %get3A_222 : vector<64x128xf32>
    %get3A_224 = arith.constant 7 : index
    %get3A_225 = arith.constant 0 : index
    %get3A_226 = arith.constant 0 : index
    %get3A_227 = vector.load %arg18[%get3A_224, %get3A_225, %get3A_226] : memref<50x64x128xf32, #tpu.memory_space<vmem>>, vector<1x64x128xf32>
    %get3A_228 = vector.shape_cast %get3A_227 : vector<1x64x128xf32> to vector<64x128xf32>
    %max3A_229 = arith.maximumf %max3A_217, %get3A_228 : vector<64x128xf32>
    %get3A_230 = arith.constant 8 : index
    %get3A_231 = arith.constant 0 : index
    %get3A_232 = arith.constant 0 : index
    %get3A_233 = vector.load %arg17[%get3A_230, %get3A_231, %get3A_232] : memref<50x64x128xf32, #tpu.memory_space<vmem>>, vector<1x64x128xf32>
    %get3A_234 = vector.shape_cast %get3A_233 : vector<1x64x128xf32> to vector<64x128xf32>
    %max3A_235 = arith.maximumf %max3A_223, %get3A_234 : vector<64x128xf32>
    %get3A_236 = arith.constant 8 : index
    %get3A_237 = arith.constant 0 : index
    %get3A_238 = arith.constant 0 : index
    %get3A_239 = vector.load %arg18[%get3A_236, %get3A_237, %get3A_238] : memref<50x64x128xf32, #tpu.memory_space<vmem>>, vector<1x64x128xf32>
    %get3A_240 = vector.shape_cast %get3A_239 : vector<1x64x128xf32> to vector<64x128xf32>
    %max3A_241 = arith.maximumf %max3A_229, %get3A_240 : vector<64x128xf32>
    %get3A_242 = arith.constant 9 : index
    %get3A_243 = arith.constant 0 : index
    %get3A_244 = arith.constant 0 : index
    %get3A_245 = vector.load %arg17[%get3A_242, %get3A_243, %get3A_244] : memref<50x64x128xf32, #tpu.memory_space<vmem>>, vector<1x64x128xf32>
    %get3A_246 = vector.shape_cast %get3A_245 : vector<1x64x128xf32> to vector<64x128xf32>
    %max3A_247 = arith.maximumf %max3A_235, %get3A_246 : vector<64x128xf32>
    %get3A_248 = arith.constant 9 : index
    %get3A_249 = arith.constant 0 : index
    %get3A_250 = arith.constant 0 : index
    %get3A_251 = vector.load %arg18[%get3A_248, %get3A_249, %get3A_250] : memref<50x64x128xf32, #tpu.memory_space<vmem>>, vector<1x64x128xf32>
    %get3A_252 = vector.shape_cast %get3A_251 : vector<1x64x128xf32> to vector<64x128xf32>
    %max3A_253 = arith.maximumf %max3A_241, %get3A_252 : vector<64x128xf32>
    %get3A_254 = arith.constant 10 : index
    %get3A_255 = arith.constant 0 : index
    %get3A_256 = arith.constant 0 : index
    %get3A_257 = vector.load %arg17[%get3A_254, %get3A_255, %get3A_256] : memref<50x64x128xf32, #tpu.memory_space<vmem>>, vector<1x64x128xf32>
    %get3A_258 = vector.shape_cast %get3A_257 : vector<1x64x128xf32> to vector<64x128xf32>
    %max3A_259 = arith.maximumf %max3A_247, %get3A_258 : vector<64x128xf32>
    %get3A_260 = arith.constant 10 : index
    %get3A_261 = arith.constant 0 : index
    %get3A_262 = arith.constant 0 : index
    %get3A_263 = vector.load %arg18[%get3A_260, %get3A_261, %get3A_262] : memref<50x64x128xf32, #tpu.memory_space<vmem>>, vector<1x64x128xf32>
    %get3A_264 = vector.shape_cast %get3A_263 : vector<1x64x128xf32> to vector<64x128xf32>
    %max3A_265 = arith.maximumf %max3A_253, %get3A_264 : vector<64x128xf32>
    %get3A_266 = arith.constant 11 : index
    %get3A_267 = arith.constant 0 : index
    %get3A_268 = arith.constant 0 : index
    %get3A_269 = vector.load %arg17[%get3A_266, %get3A_267, %get3A_268] : memref<50x64x128xf32, #tpu.memory_space<vmem>>, vector<1x64x128xf32>
    %get3A_270 = vector.shape_cast %get3A_269 : vector<1x64x128xf32> to vector<64x128xf32>
    %max3A_271 = arith.maximumf %max3A_259, %get3A_270 : vector<64x128xf32>
    %get3A_272 = arith.constant 11 : index
    %get3A_273 = arith.constant 0 : index
    %get3A_274 = arith.constant 0 : index
    %get3A_275 = vector.load %arg18[%get3A_272, %get3A_273, %get3A_274] : memref<50x64x128xf32, #tpu.memory_space<vmem>>, vector<1x64x128xf32>
    %get3A_276 = vector.shape_cast %get3A_275 : vector<1x64x128xf32> to vector<64x128xf32>
    %max3A_277 = arith.maximumf %max3A_265, %get3A_276 : vector<64x128xf32>
    %get3A_278 = arith.constant 12 : index
    %get3A_279 = arith.constant 0 : index
    %get3A_280 = arith.constant 0 : index
    %get3A_281 = vector.load %arg17[%get3A_278, %get3A_279, %get3A_280] : memref<50x64x128xf32, #tpu.memory_space<vmem>>, vector<1x64x128xf32>
    %get3A_282 = vector.shape_cast %get3A_281 : vector<1x64x128xf32> to vector<64x128xf32>
    %max3A_283 = arith.maximumf %max3A_271, %get3A_282 : vector<64x128xf32>
    %get3A_284 = arith.constant 12 : index
    %get3A_285 = arith.constant 0 : index
    %get3A_286 = arith.constant 0 : index
    %get3A_287 = vector.load %arg18[%get3A_284, %get3A_285, %get3A_286] : memref<50x64x128xf32, #tpu.memory_space<vmem>>, vector<1x64x128xf32>
    %get3A_288 = vector.shape_cast %get3A_287 : vector<1x64x128xf32> to vector<64x128xf32>
    %max3A_289 = arith.maximumf %max3A_277, %get3A_288 : vector<64x128xf32>
    %get3A_290 = arith.constant 13 : index
    %get3A_291 = arith.constant 0 : index
    %get3A_292 = arith.constant 0 : index
    %get3A_293 = vector.load %arg17[%get3A_290, %get3A_291, %get3A_292] : memref<50x64x128xf32, #tpu.memory_space<vmem>>, vector<1x64x128xf32>
    %get3A_294 = vector.shape_cast %get3A_293 : vector<1x64x128xf32> to vector<64x128xf32>
    %max3A_295 = arith.maximumf %max3A_283, %get3A_294 : vector<64x128xf32>
    %get3A_296 = arith.constant 13 : index
    %get3A_297 = arith.constant 0 : index
    %get3A_298 = arith.constant 0 : index
    %get3A_299 = vector.load %arg18[%get3A_296, %get3A_297, %get3A_298] : memref<50x64x128xf32, #tpu.memory_space<vmem>>, vector<1x64x128xf32>
    %get3A_300 = vector.shape_cast %get3A_299 : vector<1x64x128xf32> to vector<64x128xf32>
    %max3A_301 = arith.maximumf %max3A_289, %get3A_300 : vector<64x128xf32>
    %get3A_302 = arith.constant 14 : index
    %get3A_303 = arith.constant 0 : index
    %get3A_304 = arith.constant 0 : index
    %get3A_305 = vector.load %arg17[%get3A_302, %get3A_303, %get3A_304] : memref<50x64x128xf32, #tpu.memory_space<vmem>>, vector<1x64x128xf32>
    %get3A_306 = vector.shape_cast %get3A_305 : vector<1x64x128xf32> to vector<64x128xf32>
    %max3A_307 = arith.maximumf %max3A_295, %get3A_306 : vector<64x128xf32>
    %get3A_308 = arith.constant 14 : index
    %get3A_309 = arith.constant 0 : index
    %get3A_310 = arith.constant 0 : index
    %get3A_311 = vector.load %arg18[%get3A_308, %get3A_309, %get3A_310] : memref<50x64x128xf32, #tpu.memory_space<vmem>>, vector<1x64x128xf32>
    %get3A_312 = vector.shape_cast %get3A_311 : vector<1x64x128xf32> to vector<64x128xf32>
    %max3A_313 = arith.maximumf %max3A_301, %get3A_312 : vector<64x128xf32>
    %get3A_314 = arith.constant 15 : index
    %get3A_315 = arith.constant 0 : index
    %get3A_316 = arith.constant 0 : index
    %get3A_317 = vector.load %arg17[%get3A_314, %get3A_315, %get3A_316] : memref<50x64x128xf32, #tpu.memory_space<vmem>>, vector<1x64x128xf32>
    %get3A_318 = vector.shape_cast %get3A_317 : vector<1x64x128xf32> to vector<64x128xf32>
    %max3A_319 = arith.maximumf %max3A_307, %get3A_318 : vector<64x128xf32>
    %get3A_320 = arith.constant 15 : index
    %get3A_321 = arith.constant 0 : index
    %get3A_322 = arith.constant 0 : index
    %get3A_323 = vector.load %arg18[%get3A_320, %get3A_321, %get3A_322] : memref<50x64x128xf32, #tpu.memory_space<vmem>>, vector<1x64x128xf32>
    %get3A_324 = vector.shape_cast %get3A_323 : vector<1x64x128xf32> to vector<64x128xf32>
    %max3A_325 = arith.maximumf %max3A_313, %get3A_324 : vector<64x128xf32>
    %get3A_326 = arith.constant 16 : index
    %get3A_327 = arith.constant 0 : index
    %get3A_328 = arith.constant 0 : index
    %get3A_329 = vector.load %arg17[%get3A_326, %get3A_327, %get3A_328] : memref<50x64x128xf32, #tpu.memory_space<vmem>>, vector<1x64x128xf32>
    %get3A_330 = vector.shape_cast %get3A_329 : vector<1x64x128xf32> to vector<64x128xf32>
    %max3A_331 = arith.maximumf %max3A_319, %get3A_330 : vector<64x128xf32>
    %get3A_332 = arith.constant 16 : index
    %get3A_333 = arith.constant 0 : index
    %get3A_334 = arith.constant 0 : index
    %get3A_335 = vector.load %arg18[%get3A_332, %get3A_333, %get3A_334] : memref<50x64x128xf32, #tpu.memory_space<vmem>>, vector<1x64x128xf32>
    %get3A_336 = vector.shape_cast %get3A_335 : vector<1x64x128xf32> to vector<64x128xf32>
    %max3A_337 = arith.maximumf %max3A_325, %get3A_336 : vector<64x128xf32>
    %get3A_338 = arith.constant 17 : index
    %get3A_339 = arith.constant 0 : index
    %get3A_340 = arith.constant 0 : index
    %get3A_341 = vector.load %arg17[%get3A_338, %get3A_339, %get3A_340] : memref<50x64x128xf32, #tpu.memory_space<vmem>>, vector<1x64x128xf32>
    %get3A_342 = vector.shape_cast %get3A_341 : vector<1x64x128xf32> to vector<64x128xf32>
    %max3A_343 = arith.maximumf %max3A_331, %get3A_342 : vector<64x128xf32>
    %get3A_344 = arith.constant 17 : index
    %get3A_345 = arith.constant 0 : index
    %get3A_346 = arith.constant 0 : index
    %get3A_347 = vector.load %arg18[%get3A_344, %get3A_345, %get3A_346] : memref<50x64x128xf32, #tpu.memory_space<vmem>>, vector<1x64x128xf32>
    %get3A_348 = vector.shape_cast %get3A_347 : vector<1x64x128xf32> to vector<64x128xf32>
    %max3A_349 = arith.maximumf %max3A_337, %get3A_348 : vector<64x128xf32>
    %get3A_350 = arith.constant 18 : index
    %get3A_351 = arith.constant 0 : index
    %get3A_352 = arith.constant 0 : index
    %get3A_353 = vector.load %arg17[%get3A_350, %get3A_351, %get3A_352] : memref<50x64x128xf32, #tpu.memory_space<vmem>>, vector<1x64x128xf32>
    %get3A_354 = vector.shape_cast %get3A_353 : vector<1x64x128xf32> to vector<64x128xf32>
    %max3A_355 = arith.maximumf %max3A_343, %get3A_354 : vector<64x128xf32>
    %get3A_356 = arith.constant 18 : index
    %get3A_357 = arith.constant 0 : index
    %get3A_358 = arith.constant 0 : index
    %get3A_359 = vector.load %arg18[%get3A_356, %get3A_357, %get3A_358] : memref<50x64x128xf32, #tpu.memory_space<vmem>>, vector<1x64x128xf32>
    %get3A_360 = vector.shape_cast %get3A_359 : vector<1x64x128xf32> to vector<64x128xf32>
    %max3A_361 = arith.maximumf %max3A_349, %get3A_360 : vector<64x128xf32>
    %get3A_362 = arith.constant 19 : index
    %get3A_363 = arith.constant 0 : index
    %get3A_364 = arith.constant 0 : index
    %get3A_365 = vector.load %arg17[%get3A_362, %get3A_363, %get3A_364] : memref<50x64x128xf32, #tpu.memory_space<vmem>>, vector<1x64x128xf32>
    %get3A_366 = vector.shape_cast %get3A_365 : vector<1x64x128xf32> to vector<64x128xf32>
    %max3A_367 = arith.maximumf %max3A_355, %get3A_366 : vector<64x128xf32>
    %get3A_368 = arith.constant 19 : index
    %get3A_369 = arith.constant 0 : index
    %get3A_370 = arith.constant 0 : index
    %get3A_371 = vector.load %arg18[%get3A_368, %get3A_369, %get3A_370] : memref<50x64x128xf32, #tpu.memory_space<vmem>>, vector<1x64x128xf32>
    %get3A_372 = vector.shape_cast %get3A_371 : vector<1x64x128xf32> to vector<64x128xf32>
    %max3A_373 = arith.maximumf %max3A_361, %get3A_372 : vector<64x128xf32>
    %get3A_374 = arith.constant 20 : index
    %get3A_375 = arith.constant 0 : index
    %get3A_376 = arith.constant 0 : index
    %get3A_377 = vector.load %arg17[%get3A_374, %get3A_375, %get3A_376] : memref<50x64x128xf32, #tpu.memory_space<vmem>>, vector<1x64x128xf32>
    %get3A_378 = vector.shape_cast %get3A_377 : vector<1x64x128xf32> to vector<64x128xf32>
    %max3A_379 = arith.maximumf %max3A_367, %get3A_378 : vector<64x128xf32>
    %get3A_380 = arith.constant 20 : index
    %get3A_381 = arith.constant 0 : index
    %get3A_382 = arith.constant 0 : index
    %get3A_383 = vector.load %arg18[%get3A_380, %get3A_381, %get3A_382] : memref<50x64x128xf32, #tpu.memory_space<vmem>>, vector<1x64x128xf32>
    %get3A_384 = vector.shape_cast %get3A_383 : vector<1x64x128xf32> to vector<64x128xf32>
    %max3A_385 = arith.maximumf %max3A_373, %get3A_384 : vector<64x128xf32>
    %get3A_386 = arith.constant 21 : index
    %get3A_387 = arith.constant 0 : index
    %get3A_388 = arith.constant 0 : index
    %get3A_389 = vector.load %arg17[%get3A_386, %get3A_387, %get3A_388] : memref<50x64x128xf32, #tpu.memory_space<vmem>>, vector<1x64x128xf32>
    %get3A_390 = vector.shape_cast %get3A_389 : vector<1x64x128xf32> to vector<64x128xf32>
    %max3A_391 = arith.maximumf %max3A_379, %get3A_390 : vector<64x128xf32>
    %get3A_392 = arith.constant 21 : index
    %get3A_393 = arith.constant 0 : index
    %get3A_394 = arith.constant 0 : index
    %get3A_395 = vector.load %arg18[%get3A_392, %get3A_393, %get3A_394] : memref<50x64x128xf32, #tpu.memory_space<vmem>>, vector<1x64x128xf32>
    %get3A_396 = vector.shape_cast %get3A_395 : vector<1x64x128xf32> to vector<64x128xf32>
    %max3A_397 = arith.maximumf %max3A_385, %get3A_396 : vector<64x128xf32>
    %get3A_398 = arith.constant 22 : index
    %get3A_399 = arith.constant 0 : index
    %get3A_400 = arith.constant 0 : index
    %get3A_401 = vector.load %arg17[%get3A_398, %get3A_399, %get3A_400] : memref<50x64x128xf32, #tpu.memory_space<vmem>>, vector<1x64x128xf32>
    %get3A_402 = vector.shape_cast %get3A_401 : vector<1x64x128xf32> to vector<64x128xf32>
    %max3A_403 = arith.maximumf %max3A_391, %get3A_402 : vector<64x128xf32>
    %get3A_404 = arith.constant 22 : index
    %get3A_405 = arith.constant 0 : index
    %get3A_406 = arith.constant 0 : index
    %get3A_407 = vector.load %arg18[%get3A_404, %get3A_405, %get3A_406] : memref<50x64x128xf32, #tpu.memory_space<vmem>>, vector<1x64x128xf32>
    %get3A_408 = vector.shape_cast %get3A_407 : vector<1x64x128xf32> to vector<64x128xf32>
    %max3A_409 = arith.maximumf %max3A_397, %get3A_408 : vector<64x128xf32>
    %get3A_410 = arith.constant 23 : index
    %get3A_411 = arith.constant 0 : index
    %get3A_412 = arith.constant 0 : index
    %get3A_413 = vector.load %arg17[%get3A_410, %get3A_411, %get3A_412] : memref<50x64x128xf32, #tpu.memory_space<vmem>>, vector<1x64x128xf32>
    %get3A_414 = vector.shape_cast %get3A_413 : vector<1x64x128xf32> to vector<64x128xf32>
    %max3A_415 = arith.maximumf %max3A_403, %get3A_414 : vector<64x128xf32>
    %get3A_416 = arith.constant 23 : index
    %get3A_417 = arith.constant 0 : index
    %get3A_418 = arith.constant 0 : index
    %get3A_419 = vector.load %arg18[%get3A_416, %get3A_417, %get3A_418] : memref<50x64x128xf32, #tpu.memory_space<vmem>>, vector<1x64x128xf32>
    %get3A_420 = vector.shape_cast %get3A_419 : vector<1x64x128xf32> to vector<64x128xf32>
    %max3A_421 = arith.maximumf %max3A_409, %get3A_420 : vector<64x128xf32>
    %get3A_422 = arith.constant 24 : index
    %get3A_423 = arith.constant 0 : index
    %get3A_424 = arith.constant 0 : index
    %get3A_425 = vector.load %arg17[%get3A_422, %get3A_423, %get3A_424] : memref<50x64x128xf32, #tpu.memory_space<vmem>>, vector<1x64x128xf32>
    %get3A_426 = vector.shape_cast %get3A_425 : vector<1x64x128xf32> to vector<64x128xf32>
    %max3A_427 = arith.maximumf %max3A_415, %get3A_426 : vector<64x128xf32>
    %get3A_428 = arith.constant 24 : index
    %get3A_429 = arith.constant 0 : index
    %get3A_430 = arith.constant 0 : index
    %get3A_431 = vector.load %arg18[%get3A_428, %get3A_429, %get3A_430] : memref<50x64x128xf32, #tpu.memory_space<vmem>>, vector<1x64x128xf32>
    %get3A_432 = vector.shape_cast %get3A_431 : vector<1x64x128xf32> to vector<64x128xf32>
    %max3A_433 = arith.maximumf %max3A_421, %get3A_432 : vector<64x128xf32>
    %get3A_434 = arith.constant 25 : index
    %get3A_435 = arith.constant 0 : index
    %get3A_436 = arith.constant 0 : index
    %get3A_437 = vector.load %arg17[%get3A_434, %get3A_435, %get3A_436] : memref<50x64x128xf32, #tpu.memory_space<vmem>>, vector<1x64x128xf32>
    %get3A_438 = vector.shape_cast %get3A_437 : vector<1x64x128xf32> to vector<64x128xf32>
    %max3A_439 = arith.maximumf %max3A_427, %get3A_438 : vector<64x128xf32>
    %get3A_440 = arith.constant 25 : index
    %get3A_441 = arith.constant 0 : index
    %get3A_442 = arith.constant 0 : index
    %get3A_443 = vector.load %arg18[%get3A_440, %get3A_441, %get3A_442] : memref<50x64x128xf32, #tpu.memory_space<vmem>>, vector<1x64x128xf32>
    %get3A_444 = vector.shape_cast %get3A_443 : vector<1x64x128xf32> to vector<64x128xf32>
    %max3A_445 = arith.maximumf %max3A_433, %get3A_444 : vector<64x128xf32>
    %get3A_446 = arith.constant 26 : index
    %get3A_447 = arith.constant 0 : index
    %get3A_448 = arith.constant 0 : index
    %get3A_449 = vector.load %arg17[%get3A_446, %get3A_447, %get3A_448] : memref<50x64x128xf32, #tpu.memory_space<vmem>>, vector<1x64x128xf32>
    %get3A_450 = vector.shape_cast %get3A_449 : vector<1x64x128xf32> to vector<64x128xf32>
    %max3A_451 = arith.maximumf %max3A_439, %get3A_450 : vector<64x128xf32>
    %get3A_452 = arith.constant 26 : index
    %get3A_453 = arith.constant 0 : index
    %get3A_454 = arith.constant 0 : index
    %get3A_455 = vector.load %arg18[%get3A_452, %get3A_453, %get3A_454] : memref<50x64x128xf32, #tpu.memory_space<vmem>>, vector<1x64x128xf32>
    %get3A_456 = vector.shape_cast %get3A_455 : vector<1x64x128xf32> to vector<64x128xf32>
    %max3A_457 = arith.maximumf %max3A_445, %get3A_456 : vector<64x128xf32>
    %get3A_458 = arith.constant 27 : index
    %get3A_459 = arith.constant 0 : index
    %get3A_460 = arith.constant 0 : index
    %get3A_461 = vector.load %arg17[%get3A_458, %get3A_459, %get3A_460] : memref<50x64x128xf32, #tpu.memory_space<vmem>>, vector<1x64x128xf32>
    %get3A_462 = vector.shape_cast %get3A_461 : vector<1x64x128xf32> to vector<64x128xf32>
    %max3A_463 = arith.maximumf %max3A_451, %get3A_462 : vector<64x128xf32>
    %get3A_464 = arith.constant 27 : index
    %get3A_465 = arith.constant 0 : index
    %get3A_466 = arith.constant 0 : index
    %get3A_467 = vector.load %arg18[%get3A_464, %get3A_465, %get3A_466] : memref<50x64x128xf32, #tpu.memory_space<vmem>>, vector<1x64x128xf32>
    %get3A_468 = vector.shape_cast %get3A_467 : vector<1x64x128xf32> to vector<64x128xf32>
    %max3A_469 = arith.maximumf %max3A_457, %get3A_468 : vector<64x128xf32>
    %get3A_470 = arith.constant 28 : index
    %get3A_471 = arith.constant 0 : index
    %get3A_472 = arith.constant 0 : index
    %get3A_473 = vector.load %arg17[%get3A_470, %get3A_471, %get3A_472] : memref<50x64x128xf32, #tpu.memory_space<vmem>>, vector<1x64x128xf32>
    %get3A_474 = vector.shape_cast %get3A_473 : vector<1x64x128xf32> to vector<64x128xf32>
    %max3A_475 = arith.maximumf %max3A_463, %get3A_474 : vector<64x128xf32>
    %get3A_476 = arith.constant 28 : index
    %get3A_477 = arith.constant 0 : index
    %get3A_478 = arith.constant 0 : index
    %get3A_479 = vector.load %arg18[%get3A_476, %get3A_477, %get3A_478] : memref<50x64x128xf32, #tpu.memory_space<vmem>>, vector<1x64x128xf32>
    %get3A_480 = vector.shape_cast %get3A_479 : vector<1x64x128xf32> to vector<64x128xf32>
    %max3A_481 = arith.maximumf %max3A_469, %get3A_480 : vector<64x128xf32>
    %get3A_482 = arith.constant 29 : index
    %get3A_483 = arith.constant 0 : index
    %get3A_484 = arith.constant 0 : index
    %get3A_485 = vector.load %arg17[%get3A_482, %get3A_483, %get3A_484] : memref<50x64x128xf32, #tpu.memory_space<vmem>>, vector<1x64x128xf32>
    %get3A_486 = vector.shape_cast %get3A_485 : vector<1x64x128xf32> to vector<64x128xf32>
    %max3A_487 = arith.maximumf %max3A_475, %get3A_486 : vector<64x128xf32>
    %get3A_488 = arith.constant 29 : index
    %get3A_489 = arith.constant 0 : index
    %get3A_490 = arith.constant 0 : index
    %get3A_491 = vector.load %arg18[%get3A_488, %get3A_489, %get3A_490] : memref<50x64x128xf32, #tpu.memory_space<vmem>>, vector<1x64x128xf32>
    %get3A_492 = vector.shape_cast %get3A_491 : vector<1x64x128xf32> to vector<64x128xf32>
    %max3A_493 = arith.maximumf %max3A_481, %get3A_492 : vector<64x128xf32>
    %get3A_494 = arith.constant 30 : index
    %get3A_495 = arith.constant 0 : index
    %get3A_496 = arith.constant 0 : index
    %get3A_497 = vector.load %arg17[%get3A_494, %get3A_495, %get3A_496] : memref<50x64x128xf32, #tpu.memory_space<vmem>>, vector<1x64x128xf32>
    %get3A_498 = vector.shape_cast %get3A_497 : vector<1x64x128xf32> to vector<64x128xf32>
    %max3A_499 = arith.maximumf %max3A_487, %get3A_498 : vector<64x128xf32>
    %get3A_500 = arith.constant 30 : index
    %get3A_501 = arith.constant 0 : index
    %get3A_502 = arith.constant 0 : index
    %get3A_503 = vector.load %arg18[%get3A_500, %get3A_501, %get3A_502] : memref<50x64x128xf32, #tpu.memory_space<vmem>>, vector<1x64x128xf32>
    %get3A_504 = vector.shape_cast %get3A_503 : vector<1x64x128xf32> to vector<64x128xf32>
    %max3A_505 = arith.maximumf %max3A_493, %get3A_504 : vector<64x128xf32>
    %get3A_506 = arith.constant 31 : index
    %get3A_507 = arith.constant 0 : index
    %get3A_508 = arith.constant 0 : index
    %get3A_509 = vector.load %arg17[%get3A_506, %get3A_507, %get3A_508] : memref<50x64x128xf32, #tpu.memory_space<vmem>>, vector<1x64x128xf32>
    %get3A_510 = vector.shape_cast %get3A_509 : vector<1x64x128xf32> to vector<64x128xf32>
    %max3A_511 = arith.maximumf %max3A_499, %get3A_510 : vector<64x128xf32>
    %get3A_512 = arith.constant 31 : index
    %get3A_513 = arith.constant 0 : index
    %get3A_514 = arith.constant 0 : index
    %get3A_515 = vector.load %arg18[%get3A_512, %get3A_513, %get3A_514] : memref<50x64x128xf32, #tpu.memory_space<vmem>>, vector<1x64x128xf32>
    %get3A_516 = vector.shape_cast %get3A_515 : vector<1x64x128xf32> to vector<64x128xf32>
    %max3A_517 = arith.maximumf %max3A_505, %get3A_516 : vector<64x128xf32>
    %get3A_518 = arith.constant 32 : index
    %get3A_519 = arith.constant 0 : index
    %get3A_520 = arith.constant 0 : index
    %get3A_521 = vector.load %arg17[%get3A_518, %get3A_519, %get3A_520] : memref<50x64x128xf32, #tpu.memory_space<vmem>>, vector<1x64x128xf32>
    %get3A_522 = vector.shape_cast %get3A_521 : vector<1x64x128xf32> to vector<64x128xf32>
    %max3A_523 = arith.maximumf %max3A_511, %get3A_522 : vector<64x128xf32>
    %get3A_524 = arith.constant 32 : index
    %get3A_525 = arith.constant 0 : index
    %get3A_526 = arith.constant 0 : index
    %get3A_527 = vector.load %arg18[%get3A_524, %get3A_525, %get3A_526] : memref<50x64x128xf32, #tpu.memory_space<vmem>>, vector<1x64x128xf32>
    %get3A_528 = vector.shape_cast %get3A_527 : vector<1x64x128xf32> to vector<64x128xf32>
    %max3A_529 = arith.maximumf %max3A_517, %get3A_528 : vector<64x128xf32>
    %get3A_530 = arith.constant 33 : index
    %get3A_531 = arith.constant 0 : index
    %get3A_532 = arith.constant 0 : index
    %get3A_533 = vector.load %arg17[%get3A_530, %get3A_531, %get3A_532] : memref<50x64x128xf32, #tpu.memory_space<vmem>>, vector<1x64x128xf32>
    %get3A_534 = vector.shape_cast %get3A_533 : vector<1x64x128xf32> to vector<64x128xf32>
    %max3A_535 = arith.maximumf %max3A_523, %get3A_534 : vector<64x128xf32>
    %get3A_536 = arith.constant 33 : index
    %get3A_537 = arith.constant 0 : index
    %get3A_538 = arith.constant 0 : index
    %get3A_539 = vector.load %arg18[%get3A_536, %get3A_537, %get3A_538] : memref<50x64x128xf32, #tpu.memory_space<vmem>>, vector<1x64x128xf32>
    %get3A_540 = vector.shape_cast %get3A_539 : vector<1x64x128xf32> to vector<64x128xf32>
    %max3A_541 = arith.maximumf %max3A_529, %get3A_540 : vector<64x128xf32>
    %get3A_542 = arith.constant 34 : index
    %get3A_543 = arith.constant 0 : index
    %get3A_544 = arith.constant 0 : index
    %get3A_545 = vector.load %arg17[%get3A_542, %get3A_543, %get3A_544] : memref<50x64x128xf32, #tpu.memory_space<vmem>>, vector<1x64x128xf32>
    %get3A_546 = vector.shape_cast %get3A_545 : vector<1x64x128xf32> to vector<64x128xf32>
    %max3A_547 = arith.maximumf %max3A_535, %get3A_546 : vector<64x128xf32>
    %get3A_548 = arith.constant 34 : index
    %get3A_549 = arith.constant 0 : index
    %get3A_550 = arith.constant 0 : index
    %get3A_551 = vector.load %arg18[%get3A_548, %get3A_549, %get3A_550] : memref<50x64x128xf32, #tpu.memory_space<vmem>>, vector<1x64x128xf32>
    %get3A_552 = vector.shape_cast %get3A_551 : vector<1x64x128xf32> to vector<64x128xf32>
    %max3A_553 = arith.maximumf %max3A_541, %get3A_552 : vector<64x128xf32>
    %get3A_554 = arith.constant 35 : index
    %get3A_555 = arith.constant 0 : index
    %get3A_556 = arith.constant 0 : index
    %get3A_557 = vector.load %arg17[%get3A_554, %get3A_555, %get3A_556] : memref<50x64x128xf32, #tpu.memory_space<vmem>>, vector<1x64x128xf32>
    %get3A_558 = vector.shape_cast %get3A_557 : vector<1x64x128xf32> to vector<64x128xf32>
    %max3A_559 = arith.maximumf %max3A_547, %get3A_558 : vector<64x128xf32>
    %get3A_560 = arith.constant 35 : index
    %get3A_561 = arith.constant 0 : index
    %get3A_562 = arith.constant 0 : index
    %get3A_563 = vector.load %arg18[%get3A_560, %get3A_561, %get3A_562] : memref<50x64x128xf32, #tpu.memory_space<vmem>>, vector<1x64x128xf32>
    %get3A_564 = vector.shape_cast %get3A_563 : vector<1x64x128xf32> to vector<64x128xf32>
    %max3A_565 = arith.maximumf %max3A_553, %get3A_564 : vector<64x128xf32>
    %get3A_566 = arith.constant 36 : index
    %get3A_567 = arith.constant 0 : index
    %get3A_568 = arith.constant 0 : index
    %get3A_569 = vector.load %arg17[%get3A_566, %get3A_567, %get3A_568] : memref<50x64x128xf32, #tpu.memory_space<vmem>>, vector<1x64x128xf32>
    %get3A_570 = vector.shape_cast %get3A_569 : vector<1x64x128xf32> to vector<64x128xf32>
    %max3A_571 = arith.maximumf %max3A_559, %get3A_570 : vector<64x128xf32>
    %get3A_572 = arith.constant 36 : index
    %get3A_573 = arith.constant 0 : index
    %get3A_574 = arith.constant 0 : index
    %get3A_575 = vector.load %arg18[%get3A_572, %get3A_573, %get3A_574] : memref<50x64x128xf32, #tpu.memory_space<vmem>>, vector<1x64x128xf32>
    %get3A_576 = vector.shape_cast %get3A_575 : vector<1x64x128xf32> to vector<64x128xf32>
    %max3A_577 = arith.maximumf %max3A_565, %get3A_576 : vector<64x128xf32>
    %get3A_578 = arith.constant 37 : index
    %get3A_579 = arith.constant 0 : index
    %get3A_580 = arith.constant 0 : index
    %get3A_581 = vector.load %arg17[%get3A_578, %get3A_579, %get3A_580] : memref<50x64x128xf32, #tpu.memory_space<vmem>>, vector<1x64x128xf32>
    %get3A_582 = vector.shape_cast %get3A_581 : vector<1x64x128xf32> to vector<64x128xf32>
    %max3A_583 = arith.maximumf %max3A_571, %get3A_582 : vector<64x128xf32>
    %get3A_584 = arith.constant 37 : index
    %get3A_585 = arith.constant 0 : index
    %get3A_586 = arith.constant 0 : index
    %get3A_587 = vector.load %arg18[%get3A_584, %get3A_585, %get3A_586] : memref<50x64x128xf32, #tpu.memory_space<vmem>>, vector<1x64x128xf32>
    %get3A_588 = vector.shape_cast %get3A_587 : vector<1x64x128xf32> to vector<64x128xf32>
    %max3A_589 = arith.maximumf %max3A_577, %get3A_588 : vector<64x128xf32>
    %get3A_590 = arith.constant 38 : index
    %get3A_591 = arith.constant 0 : index
    %get3A_592 = arith.constant 0 : index
    %get3A_593 = vector.load %arg17[%get3A_590, %get3A_591, %get3A_592] : memref<50x64x128xf32, #tpu.memory_space<vmem>>, vector<1x64x128xf32>
    %get3A_594 = vector.shape_cast %get3A_593 : vector<1x64x128xf32> to vector<64x128xf32>
    %max3A_595 = arith.maximumf %max3A_583, %get3A_594 : vector<64x128xf32>
    %get3A_596 = arith.constant 38 : index
    %get3A_597 = arith.constant 0 : index
    %get3A_598 = arith.constant 0 : index
    %get3A_599 = vector.load %arg18[%get3A_596, %get3A_597, %get3A_598] : memref<50x64x128xf32, #tpu.memory_space<vmem>>, vector<1x64x128xf32>
    %get3A_600 = vector.shape_cast %get3A_599 : vector<1x64x128xf32> to vector<64x128xf32>
    %max3A_601 = arith.maximumf %max3A_589, %get3A_600 : vector<64x128xf32>
    %get3A_602 = arith.constant 39 : index
    %get3A_603 = arith.constant 0 : index
    %get3A_604 = arith.constant 0 : index
    %get3A_605 = vector.load %arg17[%get3A_602, %get3A_603, %get3A_604] : memref<50x64x128xf32, #tpu.memory_space<vmem>>, vector<1x64x128xf32>
    %get3A_606 = vector.shape_cast %get3A_605 : vector<1x64x128xf32> to vector<64x128xf32>
    %max3A_607 = arith.maximumf %max3A_595, %get3A_606 : vector<64x128xf32>
    %get3A_608 = arith.constant 39 : index
    %get3A_609 = arith.constant 0 : index
    %get3A_610 = arith.constant 0 : index
    %get3A_611 = vector.load %arg18[%get3A_608, %get3A_609, %get3A_610] : memref<50x64x128xf32, #tpu.memory_space<vmem>>, vector<1x64x128xf32>
    %get3A_612 = vector.shape_cast %get3A_611 : vector<1x64x128xf32> to vector<64x128xf32>
    %max3A_613 = arith.maximumf %max3A_601, %get3A_612 : vector<64x128xf32>
    %get3A_614 = arith.constant 40 : index
    %get3A_615 = arith.constant 0 : index
    %get3A_616 = arith.constant 0 : index
    %get3A_617 = vector.load %arg17[%get3A_614, %get3A_615, %get3A_616] : memref<50x64x128xf32, #tpu.memory_space<vmem>>, vector<1x64x128xf32>
    %get3A_618 = vector.shape_cast %get3A_617 : vector<1x64x128xf32> to vector<64x128xf32>
    %max3A_619 = arith.maximumf %max3A_607, %get3A_618 : vector<64x128xf32>
    %get3A_620 = arith.constant 40 : index
    %get3A_621 = arith.constant 0 : index
    %get3A_622 = arith.constant 0 : index
    %get3A_623 = vector.load %arg18[%get3A_620, %get3A_621, %get3A_622] : memref<50x64x128xf32, #tpu.memory_space<vmem>>, vector<1x64x128xf32>
    %get3A_624 = vector.shape_cast %get3A_623 : vector<1x64x128xf32> to vector<64x128xf32>
    %max3A_625 = arith.maximumf %max3A_613, %get3A_624 : vector<64x128xf32>
    %get3A_626 = arith.constant 41 : index
    %get3A_627 = arith.constant 0 : index
    %get3A_628 = arith.constant 0 : index
    %get3A_629 = vector.load %arg17[%get3A_626, %get3A_627, %get3A_628] : memref<50x64x128xf32, #tpu.memory_space<vmem>>, vector<1x64x128xf32>
    %get3A_630 = vector.shape_cast %get3A_629 : vector<1x64x128xf32> to vector<64x128xf32>
    %max3A_631 = arith.maximumf %max3A_619, %get3A_630 : vector<64x128xf32>
    %get3A_632 = arith.constant 41 : index
    %get3A_633 = arith.constant 0 : index
    %get3A_634 = arith.constant 0 : index
    %get3A_635 = vector.load %arg18[%get3A_632, %get3A_633, %get3A_634] : memref<50x64x128xf32, #tpu.memory_space<vmem>>, vector<1x64x128xf32>
    %get3A_636 = vector.shape_cast %get3A_635 : vector<1x64x128xf32> to vector<64x128xf32>
    %max3A_637 = arith.maximumf %max3A_625, %get3A_636 : vector<64x128xf32>
    %get3A_638 = arith.constant 42 : index
    %get3A_639 = arith.constant 0 : index
    %get3A_640 = arith.constant 0 : index
    %get3A_641 = vector.load %arg17[%get3A_638, %get3A_639, %get3A_640] : memref<50x64x128xf32, #tpu.memory_space<vmem>>, vector<1x64x128xf32>
    %get3A_642 = vector.shape_cast %get3A_641 : vector<1x64x128xf32> to vector<64x128xf32>
    %max3A_643 = arith.maximumf %max3A_631, %get3A_642 : vector<64x128xf32>
    %get3A_644 = arith.constant 42 : index
    %get3A_645 = arith.constant 0 : index
    %get3A_646 = arith.constant 0 : index
    %get3A_647 = vector.load %arg18[%get3A_644, %get3A_645, %get3A_646] : memref<50x64x128xf32, #tpu.memory_space<vmem>>, vector<1x64x128xf32>
    %get3A_648 = vector.shape_cast %get3A_647 : vector<1x64x128xf32> to vector<64x128xf32>
    %max3A_649 = arith.maximumf %max3A_637, %get3A_648 : vector<64x128xf32>
    %get3A_650 = arith.constant 43 : index
    %get3A_651 = arith.constant 0 : index
    %get3A_652 = arith.constant 0 : index
    %get3A_653 = vector.load %arg17[%get3A_650, %get3A_651, %get3A_652] : memref<50x64x128xf32, #tpu.memory_space<vmem>>, vector<1x64x128xf32>
    %get3A_654 = vector.shape_cast %get3A_653 : vector<1x64x128xf32> to vector<64x128xf32>
    %max3A_655 = arith.maximumf %max3A_643, %get3A_654 : vector<64x128xf32>
    %get3A_656 = arith.constant 43 : index
    %get3A_657 = arith.constant 0 : index
    %get3A_658 = arith.constant 0 : index
    %get3A_659 = vector.load %arg18[%get3A_656, %get3A_657, %get3A_658] : memref<50x64x128xf32, #tpu.memory_space<vmem>>, vector<1x64x128xf32>
    %get3A_660 = vector.shape_cast %get3A_659 : vector<1x64x128xf32> to vector<64x128xf32>
    %max3A_661 = arith.maximumf %max3A_649, %get3A_660 : vector<64x128xf32>
    %get3A_662 = arith.constant 44 : index
    %get3A_663 = arith.constant 0 : index
    %get3A_664 = arith.constant 0 : index
    %get3A_665 = vector.load %arg17[%get3A_662, %get3A_663, %get3A_664] : memref<50x64x128xf32, #tpu.memory_space<vmem>>, vector<1x64x128xf32>
    %get3A_666 = vector.shape_cast %get3A_665 : vector<1x64x128xf32> to vector<64x128xf32>
    %max3A_667 = arith.maximumf %max3A_655, %get3A_666 : vector<64x128xf32>
    %get3A_668 = arith.constant 44 : index
    %get3A_669 = arith.constant 0 : index
    %get3A_670 = arith.constant 0 : index
    %get3A_671 = vector.load %arg18[%get3A_668, %get3A_669, %get3A_670] : memref<50x64x128xf32, #tpu.memory_space<vmem>>, vector<1x64x128xf32>
    %get3A_672 = vector.shape_cast %get3A_671 : vector<1x64x128xf32> to vector<64x128xf32>
    %max3A_673 = arith.maximumf %max3A_661, %get3A_672 : vector<64x128xf32>
    %get3A_674 = arith.constant 45 : index
    %get3A_675 = arith.constant 0 : index
    %get3A_676 = arith.constant 0 : index
    %get3A_677 = vector.load %arg17[%get3A_674, %get3A_675, %get3A_676] : memref<50x64x128xf32, #tpu.memory_space<vmem>>, vector<1x64x128xf32>
    %get3A_678 = vector.shape_cast %get3A_677 : vector<1x64x128xf32> to vector<64x128xf32>
    %max3A_679 = arith.maximumf %max3A_667, %get3A_678 : vector<64x128xf32>
    %get3A_680 = arith.constant 45 : index
    %get3A_681 = arith.constant 0 : index
    %get3A_682 = arith.constant 0 : index
    %get3A_683 = vector.load %arg18[%get3A_680, %get3A_681, %get3A_682] : memref<50x64x128xf32, #tpu.memory_space<vmem>>, vector<1x64x128xf32>
    %get3A_684 = vector.shape_cast %get3A_683 : vector<1x64x128xf32> to vector<64x128xf32>
    %max3A_685 = arith.maximumf %max3A_673, %get3A_684 : vector<64x128xf32>
    %get3A_686 = arith.constant 46 : index
    %get3A_687 = arith.constant 0 : index
    %get3A_688 = arith.constant 0 : index
    %get3A_689 = vector.load %arg17[%get3A_686, %get3A_687, %get3A_688] : memref<50x64x128xf32, #tpu.memory_space<vmem>>, vector<1x64x128xf32>
    %get3A_690 = vector.shape_cast %get3A_689 : vector<1x64x128xf32> to vector<64x128xf32>
    %max3A_691 = arith.maximumf %max3A_679, %get3A_690 : vector<64x128xf32>
    %get3A_692 = arith.constant 46 : index
    %get3A_693 = arith.constant 0 : index
    %get3A_694 = arith.constant 0 : index
    %get3A_695 = vector.load %arg18[%get3A_692, %get3A_693, %get3A_694] : memref<50x64x128xf32, #tpu.memory_space<vmem>>, vector<1x64x128xf32>
    %get3A_696 = vector.shape_cast %get3A_695 : vector<1x64x128xf32> to vector<64x128xf32>
    %max3A_697 = arith.maximumf %max3A_685, %get3A_696 : vector<64x128xf32>
    %get3A_698 = arith.constant 47 : index
    %get3A_699 = arith.constant 0 : index
    %get3A_700 = arith.constant 0 : index
    %get3A_701 = vector.load %arg17[%get3A_698, %get3A_699, %get3A_700] : memref<50x64x128xf32, #tpu.memory_space<vmem>>, vector<1x64x128xf32>
    %get3A_702 = vector.shape_cast %get3A_701 : vector<1x64x128xf32> to vector<64x128xf32>
    %max3A_703 = arith.maximumf %max3A_691, %get3A_702 : vector<64x128xf32>
    %get3A_704 = arith.constant 47 : index
    %get3A_705 = arith.constant 0 : index
    %get3A_706 = arith.constant 0 : index
    %get3A_707 = vector.load %arg18[%get3A_704, %get3A_705, %get3A_706] : memref<50x64x128xf32, #tpu.memory_space<vmem>>, vector<1x64x128xf32>
    %get3A_708 = vector.shape_cast %get3A_707 : vector<1x64x128xf32> to vector<64x128xf32>
    %max3A_709 = arith.maximumf %max3A_697, %get3A_708 : vector<64x128xf32>
    %get3A_710 = arith.constant 48 : index
    %get3A_711 = arith.constant 0 : index
    %get3A_712 = arith.constant 0 : index
    %get3A_713 = vector.load %arg17[%get3A_710, %get3A_711, %get3A_712] : memref<50x64x128xf32, #tpu.memory_space<vmem>>, vector<1x64x128xf32>
    %get3A_714 = vector.shape_cast %get3A_713 : vector<1x64x128xf32> to vector<64x128xf32>
    %max3A_715 = arith.maximumf %max3A_703, %get3A_714 : vector<64x128xf32>
    %get3A_716 = arith.constant 48 : index
    %get3A_717 = arith.constant 0 : index
    %get3A_718 = arith.constant 0 : index
    %get3A_719 = vector.load %arg18[%get3A_716, %get3A_717, %get3A_718] : memref<50x64x128xf32, #tpu.memory_space<vmem>>, vector<1x64x128xf32>
    %get3A_720 = vector.shape_cast %get3A_719 : vector<1x64x128xf32> to vector<64x128xf32>
    %max3A_721 = arith.maximumf %max3A_709, %get3A_720 : vector<64x128xf32>
    %get3A_722 = arith.constant 49 : index
    %get3A_723 = arith.constant 0 : index
    %get3A_724 = arith.constant 0 : index
    %get3A_725 = vector.load %arg17[%get3A_722, %get3A_723, %get3A_724] : memref<50x64x128xf32, #tpu.memory_space<vmem>>, vector<1x64x128xf32>
    %get3A_726 = vector.shape_cast %get3A_725 : vector<1x64x128xf32> to vector<64x128xf32>
    %max3A_727 = arith.maximumf %max3A_715, %get3A_726 : vector<64x128xf32>
    %get3A_728 = arith.constant 49 : index
    %get3A_729 = arith.constant 0 : index
    %get3A_730 = arith.constant 0 : index
    %get3A_731 = vector.load %arg18[%get3A_728, %get3A_729, %get3A_730] : memref<50x64x128xf32, #tpu.memory_space<vmem>>, vector<1x64x128xf32>
    %get3A_732 = vector.shape_cast %get3A_731 : vector<1x64x128xf32> to vector<64x128xf32>
    %max3A_733 = arith.maximumf %max3A_721, %get3A_732 : vector<64x128xf32>
    %concatenate3A = tpu.concatenate %max3A_727, %max3A_733 in 1 : vector<64x128xf32>, vector<64x128xf32> -> vector<64x256xf32>
    %swap3A_734 = arith.constant 0 : index
    %swap3A_735 = arith.constant 0 : index
    %swap3A_736 = vector.load %arg13[%swap3A_734, %swap3A_735] : memref<64x256xf32, #tpu.memory_space<vmem>>, vector<64x256xf32>
    tpu.vector_store %arg13[%swap3A_734, %swap3A_735], %concatenate3A {strides = array<i32>} : memref<64x256xf32, #tpu.memory_space<vmem>>, vector<64x256xf32>,
    %get3A_737 = arith.constant 0 : index
    %get3A_738 = arith.constant 0 : index
    %get3A_739 = vector.load %arg11[%get3A_737, %get3A_738] : memref<104x256xf32, #tpu.memory_space<vmem>>, vector<104x256xf32>
    %dot_general3A_740 = arith.constant dense<0.000000e+00> : vector<64x104xf32>
    %dot_general3A_741 = tpu.matmul %concatenate3A, %get3A_739, %dot_general3A_740 {dimension_numbers = #tpu.dot_dimension_numbers<[1], [1], [0], [0], [0, 0, 1, 0], [], []>, transpose_lhs_hint = false} : vector<64x256xf32>, vector<104x256xf32>, vector<64x104xf32> -> vector<64x104xf32>
    %get3A_742 = arith.constant 0 : index
    %get3A_743 = arith.constant 0 : index
    %get3A_744 = vector.load %arg12[%get3A_742, %get3A_743] : memref<1x104xf32, #tpu.memory_space<vmem>>, vector<1x104xf32>
    %add3A_745 = vector.broadcast %get3A_744 : vector<1x104xf32> to vector<64x104xf32>
    %add3A_746 = arith.addf %dot_general3A_741, %add3A_745 : vector<64x104xf32>
    %swap3A_747 = arith.constant 0 : index
    %swap3A_748 = arith.constant 0 : index
    %swap3A_749 = vector.load %arg14[%swap3A_747, %swap3A_748] : memref<64x104xf32, #tpu.memory_space<vmem>>, vector<64x104xf32>
    tpu.vector_store %arg14[%swap3A_747, %swap3A_748], %add3A_746 {strides = array<i32>} : memref<64x104xf32, #tpu.memory_space<vmem>>, vector<64x104xf32>,
    return
  }
}

</mosaic_0001>

<sc_bundles>
// kernel: kernel.4.cloned.1.call-start
scs
__scs_entry_jumppad:
0x0: {  	(pc) =	sbr.rel $0x88, $3  }
0x1: {  	(tag) =	ssettag $0x0;
	lr =	simm.s32 $0x1  }
0x2: {  	[smem:$0x3F93] =	sst lr;
	_ =	strace $0xD0000000  }
0x3: {  	_ = 	snop  }
0x4: {  	_ = 	snop  }
0x5: {  	_ = 	snop  }
0x6: {  	_ = 	snop  }
0x7: {  	_ = 	snop  }
__scs_overlays_trampoline_lowered:
0x8: {  	[smem:$0x3FA2] =	sst s0  }
0x9: {  	[smem:$0x3FA3] =	sst s1  }
0xa: {  	[smem:$0x3FA4] =	sst s2  }
0xb: {  	[smem:$0x3FA5] =	sst s3  }
0xc: {  	[smem:$0x3FA6] =	sst s4  }
0xd: {  	[smem:$0x3FA7] =	sst s5  }
0xe: {  	[smem:$0x3FA8] =	sst s6  }
0xf: {  	[smem:$0x3FA9] =	sst s7  }
0x10: {  	[smem:$0x3FAA] =	sst s8  }
0x11: {  	[smem:$0x3FAB] =	sst s9;
	s0 =	simm.s32 @!p0 $0x0  }
0x12: {  	s1 =	sld [smem:$0x3F91];
	s0 =	simm.s32 @p0 $0x1  }
0x13: {  	[smem:$0x3FAC] =	sst s0;
	s0 =	simm.s32 @!p1 $0x0  }
0x14: {  	s2 =	sld [smem:$0x3F90];
	s0 =	simm.s32 @p1 $0x1  }
0x15: {  	[smem:$0x3FAD] =	sst s0;
	s0 =	simm.s32 @!p2 $0x0  }
0x16: {  	s3 =	sld [smem:$0x3FDB];
	s0 =	simm.s32 @p2 $0x1  }
0x17: {  	s4 =	simm.s32 $0x1BF5;
	[smem:$0x3FAF] =	sst s0  }
0x18: {  	s0 =	sld [smem:$0x3F92];
	_ =	swait.ge [sflag:s4], $0x0  }
0x19: {  	s7 =	sld [smem:$0x3F93]  }
0x1a: {  	s8 =	sadd.s32 $0xFFFFE003, lr  }
0x1b: {  	s9 =	sadd.s32 $0xFFFFFEF7, lr;
	s5 =	simm.s32 $0xFFFFFFFF;
	p2 =	slt.u32 s8, $0xFFFFF086  }
0x1c: {  	p1 =	slt.u32 s9, $0xF7A;
	s5 =	simm.s32 @!p2 $0x0  }
0x1d: {  	s5 =	simm.s32 @p1 $0x1;
	p0 =	seq.s32 s7, s2  }
0x1e: {  	s7 =	smul.u32 @!p0 $0xF7A, s2;
	p2 =	seq.s32 @!p0 s5, $0x0  }
0x1f: {  	s9 =	smul.u32 $0xF7A, s1;
	s8 =	simm.s32 @!p0 $0x1BF5;
	p2 =	por !p2, p0  }
0x20: {  	[sflag:s8] =	ssyncset.s32 @!p0 $0xFFFFF086;
	s6 =	sadd.s32 @!p0 s3, s7;
	s7 =	simm.s32 @!p0 $0x108  }
0x21: {  	s3 =	sadd.s32 s3, s9;
	s6 =	sadd.s32 @!p0 $0x88, s6;
	s7 =	simm.s32 @p2 $0x1082  }
0x22: {  	[simem:s7], [sflag:s8] =	dma.local @!p0 [hbm:s6], $0xF7A  }
0x23: {  	s9 =	sor.u32 $0xD0000000, s2;
	s6 =	simm.s32 $0x108;
	_ =	swait.ge @!p0 [sflag:s8], $0x0  }
0x24: {  	s3 =	sadd.s32 $0x88, s3;
	s6 =	simm.s32 @!p1 $0x1082;
	[sflag:s4] =	ssyncset.s32 $0xFFFFF086  }
0x25: {  	[simem:s6], [sflag:s4] =	dma.local [hbm:s3], $0xF7A  }
0x26: {  	[smem:$0x3F93] =	sst s1;
	(tag) =	ssettag s2;
	_ =	strace s9  }
0x27: {  	s1 =	sld [smem:$0x3FA3]  }
0x28: {  	s2 =	sld [smem:$0x3FA4]  }
0x29: {  	s4 =	sld [smem:$0x3FA6]  }
0x2a: {  	p0 =	seq.s32 s5, $0x0;
	s5 =	sld [smem:$0x3FA7]  }
0x2b: {  	s6 =	sld [smem:$0x3FA8]  }
0x2c: {  	s7 =	sld [smem:$0x3FA9]  }
0x2d: {  	s3 =	simm.s32 $0x108;
	s8 =	sld [smem:$0x3FAA]  }
0x2e: {  	s3 =	simm.s32 @!p0 $0x1082;
	s9 =	sld [smem:$0x3FAB]  }
0x2f: {  	lr =	sadd.s32 s0, s3;
	s0 =	sld [smem:$0x3FA2]  }
0x30: {  	s3 =	sld [smem:$0x3FA5]  }
0x31: {  	[smem:$0x3FAE] =	sst s10  }
0x32: {  	s10 =	sld [smem:$0x3FAC];
	_ =	sdelay $0x3  }
0x33: {  	p0 =	seq.s32 s10, $0x1;
	s10 =	sld [smem:$0x3FAE];
	_ =	sdelay $0x3  }
0x34: {  	[smem:$0x3FAE] =	sst s10  }
0x35: {  	s10 =	sld [smem:$0x3FAD];
	_ =	sdelay $0x3  }
0x36: {  	p1 =	seq.s32 s10, $0x1;
	s10 =	sld [smem:$0x3FAE];
	_ =	sdelay $0x3  }
0x37: {  	[smem:$0x3FAE] =	sst s10  }
0x38: {  	s10 =	sld [smem:$0x3FAF]  }
0x39: {  	_ = 	snop;
	(pc) =	sbr.ind lr, $3  }
0x3a: {  	_ = 	snop  }
0x3b: {  	_ = 	snop  }
0x3c: {  	p2 =	seq.s32 s10, $0x1;
	s10 =	sld [smem:$0x3FAE]  }
0x3d: {  	_ =	shalt  }
0x3e: {  	_ =	shalt  }
0x3f: {  	_ =	shalt  }
0x40: {  	_ =	shalt  }
0x41: {  	_ =	shalt  }
0x42: {  	_ =	shalt  }
0x43: {  	_ =	shalt  }
0x44: {  	_ =	shalt  }
0x45: {  	_ =	shalt  }
0x46: {  	_ =	shalt  }
0x47: {  	_ =	shalt  }
0x48: {  	_ =	shalt  }
0x49: {  	_ =	shalt  }
0x4a: {  	_ =	shalt  }
0x4b: {  	_ =	shalt  }
0x4c: {  	_ =	shalt  }
0x4d: {  	_ =	shalt  }
0x4e: {  	_ =	shalt  }
0x4f: {  	_ =	shalt  }
0x50: {  	_ =	shalt  }
0x51: {  	_ =	shalt  }
0x52: {  	_ =	shalt  }
0x53: {  	_ =	shalt  }
0x54: {  	_ =	shalt  }
0x55: {  	_ =	shalt  }
0x56: {  	_ =	shalt  }
0x57: {  	_ =	shalt  }
0x58: {  	_ =	shalt  }
0x59: {  	_ =	shalt  }
0x5a: {  	_ =	shalt  }
0x5b: {  	_ =	shalt  }
0x5c: {  	_ =	shalt  }
0x5d: {  	_ =	shalt  }
0x5e: {  	_ =	shalt  }
0x5f: {  	_ =	shalt  }
0x60: {  	_ =	shalt  }
0x61: {  	_ =	shalt  }
0x62: {  	_ =	shalt  }
0x63: {  	_ =	shalt  }
0x64: {  	_ =	shalt  }
0x65: {  	_ =	shalt  }
0x66: {  	_ =	shalt  }
0x67: {  	_ =	shalt  }
0x68: {  	_ =	shalt  }
0x69: {  	_ =	shalt  }
0x6a: {  	_ =	shalt  }
0x6b: {  	_ =	shalt  }
0x6c: {  	_ =	shalt  }
0x6d: {  	_ =	shalt  }
0x6e: {  	_ =	shalt  }
0x6f: {  	_ =	shalt  }
0x70: {  	_ =	shalt  }
0x71: {  	_ =	shalt  }
0x72: {  	_ =	shalt  }
0x73: {  	_ =	shalt  }
0x74: {  	_ =	shalt  }
0x75: {  	_ =	shalt  }
0x76: {  	_ =	shalt  }
0x77: {  	_ =	shalt  }
0x78: {  	_ =	shalt  }
0x79: {  	_ =	shalt  }
0x7a: {  	_ =	shalt  }
0x7b: {  	_ =	shalt  }
0x7c: {  	_ =	shalt  }
0x7d: {  	_ =	shalt  }
0x7e: {  	_ =	shalt  }
0x7f: {  	_ =	shalt  }
0x80: {  	_ =	shalt  }
0x81: {  	_ =	shalt  }
0x82: {  	_ =	shalt  }
0x83: {  	_ =	shalt  }
0x84: {  	_ =	shalt  }
0x85: {  	_ =	shalt  }
0x86: {  	_ =	shalt  }
0x87: {  	_ =	shalt  }
.Lfunc_end0:
.L_simem_size_0:
called_computation_lowered:
.L_overlay_start_0:
0x88: {  	s2 =	sld [smem:$0x3FD9]  }
0x89: {  	s3 =	sld [smem:$0x3FFE];
	_ =	sdelay $0x1  }
0x8a: {  	s1 =	srdreg.scid  }
0x8b: {  	s0 =	sand.u32 $0x1, s1  }
0x8c: {  	s17 =	sshll.u32 s0, $0xA;
	s2 =	sadd.s32 s3, s2  }
0x8d: {  	s2 =	sadd.s32 s2, s17  }
0x8e: {  	[smem:$0x3FBA] =	sst s2  }
0x8f: {  	_ = 	snop  }
0x90: {  	s2 =	sld [smem:$0x3FC8];
	(tm) =	ssettm $0x1  }
0x91: {  	s18 =	sld [smem:$0x3FFB];
	_ =	sdelay $0x3  }
0x92: {  	_ =	strace s18  }
0x93: {  	s3 =	sld [smem:$0x3FFC];
	_ =	sdelay $0x3  }
0x94: {  	_ =	strace s3  }
0x95: {  	s3 =	sld [smem:$0x3FFD];
	_ =	sdelay $0x3  }
0x96: {  	_ =	strace s3  }
0x97: {  	_ =	strace $0x8FFFFFFF  }
0x98: {  	s19 =	sld [smem:$0x3FDB];
	_ =	sdelay $0x1  }
0x99: {  	s4 =	simm.s32 $_scs_section_size  }
0x9a: {  	s5 =	simm.s32 $_size__tile_overlayer_lowered;
	s6 =	simm.s32 $_tile_overlayer_lowered  }
0x9b: {  	s22 =	simm.s32 $0x1BFF;
	s21 =	sshll.u32 s6, $0x1;
	s3 =	sadd.s32 s4, s19  }
0x9c: {  	s7 =	simm.s32 $0x0;
	s20 =	sshll.u32 s5, $0x1;
	s5 =	sadd.s32 s21, s3  }
0x9d: {  	[timem:s7], [sflag:s22] =	dma.local [hbm:s5], s20  }
0x9e: {  	_ =	swait.ge [sflag:s22], s20  }
0x9f: {  	s4 =	ssub.s32 $0x0, s20;
	[sflag:s22] =	ssyncset.done $0x0  }
0xa0: {  	[sflag:s22] =	ssyncadd.s32 s4;
	_ =	sdelay $0x1  }
0xa1: {  	s23 =	simm.s32 $0x1B8B  }
0xa2: {  	_ =	swait.ge [sflag:s23], $0x1  }
0xa3: {  	[sflag:s23] =	ssyncset.done $0x0  }
0xa4: {  	s25 =	simm.s32 $0x1B8E;
	s24 =	sld [smem:$0x3FFE];
	[sflag:s23] =	ssyncadd.s32 $0xFFFFFFFF  }
0xa5: {  	s26 =	simm.s32 $execute0_lowered;
	[smem:$0x3FD2] =	sst s25  }
0xa6: {  	s5 =	sshll.u32 s26, $0x1;
	_ =	strace $0x80000046;
	[dreg:$0x1] =	wrdreg $0xFFFFFFFF  }
0xa7: {  	s28 =	simm.s32 $_size_execute0_lowered;
	s3 =	sadd.s32 s3, s5;
	[dreg:$0x0] =	wrdreg $0x0  }
0xa8: {  	s5 =	sshll.u32 s28, $0x1;
	[dreg:$0x2] =	wrdreg s3  }
0xa9: {  	[dreg:$0x3] =	wrdreg s5  }
0xaa: {  	[dreg:$0x4] =	wrdreg $0xC0  }
0xab: {  	_ =	task [dreg:s7], $0x5FFFF  }
0xac: {  	[dreg:$0x1] =	wrdreg $0xFFFFFFFF  }
0xad: {  	[dreg:$0x0] =	wrdreg $0x60  }
0xae: {  	[dreg:$0x2] =	wrdreg s24  }
0xaf: {  	[dreg:$0x3] =	wrdreg s2  }
0xb0: {  	[dreg:$0x4] =	wrdreg $0x9  }
0xb1: {  	_ =	task.clear_ibuf [dreg:s7], $0x5FFFF;
	_ =	strace $0x90000046  }
0xb2: {  	s29 =	simm.s32 $0x9;
	_ =	strace $0x80000048  }
0xb3: {  	_ =	swait.ge [sflag:s29], $0x1  }
0xb4: {  	[sflag:s29] =	ssyncadd.s32 $0xFFFFFFFF  }
0xb5: {  	_ =	strace $0x90000048  }
0xb6: {  	_ =	sfence  }
0xb7: {  	s30 =	sld [smem:$0x0];
	_ =	sdelay $0x2  }
0xb8: {  	s31 =	sshll.u32 s1, $0xD;
	s1 =	sshrl.u32 s1, $0x2  }
0xb9: {  	s3 =	sand.u32 $0x4000, s31;
	s1 =	sadd.s32 s1, s30  }
0xba: {  	s0 =	sor.u32 s3, s0;
	s1 =	sshll.u32 s1, $0x11  }
0xbb: {  	s0 =	sor.u32 s1, s0  }
0xbc: {  	s0 =	sadd.s32 $0x8F2B, s0  }
0xbd: {  	[sflag:s0] =	ssyncadd.remote.s32 $0x1  }
0xbe: {  	_ =	sfence.sel $0xFFFF  }
0xbf: {  	[dreg:$0x0] =	wrdreg $0xFFFFFFFF;
	(pc) =	sbr.abs _section_cstart, $3  }
0xc0: {  	[dreg:$0x1] =	wrdreg $0xFFFFFFFF  }
0xc1: {  	_ =	task.clear_ibuf [dreg:s7], $0x2FFFF;
	_ =	strace $0x9FFFFFFF  }
0xc2: {  	(tm) =	ssettm $0x7FFFFFFF  }
0xc3: {  	_ =	shalt  }
tec
execute0_lowered:
.L_overlay_start_1:
0x0: {  	(tag) =	ssettag $0x1  }
0x1: {  	s0 =	rddreg [dreg:$0x0]  }
0x2: {  	s1 =	rddreg [dreg:$0x1];
	s3 =	simm.s32 $0x0;
	s2 =	srdreg.scid  }
0x3: {  	s10 =	stileid.u32;
	s28 =	simm.s32 $0x8500;
	s29 =	simm.s32 $0x180  }
0x4: {  	s30 =	simm.s32 $0xC500;
	s31 =	simm.s32 $0x1;
	s4 =	smul.u32 $0x96, s10  }
0x5: {  	s11 =	simm.s32 $0x8;
	s12 =	simm.s32 $0x9;
	s7 =	smul.u32 $0x25800, s10  }
0x6: {  	s13 =	simm.s32 $0xA;
	[smem:$0x7FF] =	sst s3;
	s9 =	smul.u32 $0x4B00, s10  }
0x7: {  	s2 =	sand.u32 $0x1, s2;
	s5 =	sadd.s32 $0x2400, s0;
	s21 =	smul.u32 $0x260, s10  }
0x8: {  	s0 =	sadd.s32 $0x3400, s0;
	s24 =	smul.u32 $0x13000, s10;
	s10 =	simm.s32 $0x7  }
0x9: {  	_ =	strace $0x80000047;
	s6 =	ssub.s32 $0x2, s2;
	p0 =	seq.s32 s2, $0x1  }
0xa: {  	s8 =	sshrl.u32 s6, $0x1;
	s14 =	sshrl.u32 s7, $0x3;
	s4 =	sadd.s32 s5, s4  }
0xb: {  	s15 =	sadd.s32 s0, s9;
	[dreg:$0x3] =	wrdreg s4;
	s2 =	sadd.s32 s0, s14  }
0xc: {  	s26 =	sadd.s32 $0x4B00, s21;
	[dreg:$0x4] =	wrdreg s15;
	s16 =	sadd.s32 $0x800, s2  }
0xd: {  	s7 =	sshrl.u32 s24, $0x3;
	s17 =	sadd.s32 $0x1000, s2;
	[dreg:$0x5] =	wrdreg s16  }
0xe: {  	s24 =	simm.s32 $0x500;
	s18 =	sadd.s32 $0x1800, s2;
	[dreg:$0x6] =	wrdreg s17  }
0xf: {  	s9 =	simm.s32 $0x6;
	s19 =	sadd.s32 $0x2000, s2;
	[dreg:$0x7] =	wrdreg s18  }
0x10: {  	s6 =	ssub.s32 s6, s8;
	s20 =	sadd.s32 $0x2800, s2;
	[dreg:$0x8] =	wrdreg s19  }
0x11: {  	s4 =	sshrl.u32 s26, $0x3;
	s22 =	sadd.s32 $0x3000, s2;
	[dreg:$0x9] =	wrdreg s20  }
0x12: {  	s8 =	simm.s32 $0xB;
	s23 =	sadd.s32 $0x3800, s2;
	[dreg:$0xa] =	wrdreg s22  }
0x13: {  	s15 =	simm.s32 $0x480;
	s25 =	sadd.s32 $0x4000, s2;
	[dreg:$0xb] =	wrdreg s23  }
0x14: {  	s2 =	sadd.s32 $0x4800, s2;
	s4 =	sadd.s32 s5, s4;
	[dreg:$0xc] =	wrdreg s25  }
0x15: {  	s21 =	smax.u32 s6, $0x1;
	s5 =	simm.s32 $0x3;
	[dreg:$0xd] =	wrdreg s2  }
0x16: {  	s6 =	simm.s32 $0x4;
	s2 =	sshll.u32 s26, $0x4;
	[dreg:$0xe] =	wrdreg s4  }
.Ltmp0:
0x17: {  	s22 =	simm.s32 $0xC;
	s23 =	simm.s32 $0x80;
	(pc) =	sbr.rel .LBB2_1-.Ltmp0, $4  }
0x18: {  	s25 =	simm.s32 $0x4500;
	s26 =	simm.s32 $0x100;
	s4 =	simm.s32 $0x2  }
0x19: {  	s16 =	sadd.s32 s0, s2;
	s0 =	sadd.s32 s0, s7;
	s2 =	simm.s32 $0x10500  }
0x1a: {  	s7 =	simm.s32 $0x5;
	s17 =	sadd.s32 $0x4B800, s0;
	s18 =	sadd.s32 $0x4C000, s0  }
0x1b: {  	s19 =	sadd.s32 $0x4C800, s0;
	s20 =	sadd.s32 $0x4D000, s0;
	s0 =	simm.s32 $0x200  }
.LBB2_3:
0x1c: {  	s14 =	rddreg [dreg:$0xe]  }
0x1d: {  	[tilespmem:s3], [sflag:$0xC] =	stream.linear.gather [hbm4b:s14+s3], $0x260, $0x38;
	[tilespmem:$0x14500] =	vst v63  }
0x1e: {  	_ =	swait.ge [sflag:s22], $0x260  }
0x1f: {  	[sflag:s22] =	ssyncset.done $0x0  }
0x20: {  	[sflag:s22] =	ssyncadd.s32 $0xFFFFFDA0  }
0x21: {  	[tilespmem:s24], [sflag:$0x1] =	stream.indirect.gather [hbm4b:s1+s23], $0x80, s3, s23, $0xb8;
	[tilespmem:$0x14500] =	vst v63  }
0x22: {  	_ = 	snop  }
0x23: {  	[tilespmem:s25], [sflag:$0x2] =	stream.indirect.gather [hbm4b:s1+s23], $0x80, s23, s23, $0xb8;
	[tilespmem:$0x14500] =	vst v63  }
0x24: {  	_ = 	snop  }
0x25: {  	[tilespmem:s28], [sflag:$0x3] =	stream.indirect.gather [hbm4b:s1+s23], $0x80, s26, s23, $0xb8;
	[tilespmem:$0x14500] =	vst v63  }
0x26: {  	_ = 	snop  }
0x27: {  	[tilespmem:s30], [sflag:$0x4] =	stream.indirect.gather [hbm4b:s1+s23], $0x80, s29, s23, $0xb8;
	[tilespmem:$0x14500] =	vst v63  }
0x28: {  	s14 =	simm.s32 $0x60  }
0x29: {  	[tilespmem:s2], [sflag:$0x5] =	stream.indirect.gather [hbm4b:s1+s14], $0x80, s0, s14, $0xb8;
	[tilespmem:$0x14500] =	vst v63  }
0x2a: {  	_ =	swait.ge [sflag:s31], $0x4000  }
0x2b: {  	[sflag:s31] =	ssyncset.done $0x0  }
0x2c: {  	[sflag:s31] =	ssyncadd.s32 $0xFFFFC000  }
0x2d: {  	[hbm4b:s16+s3] =	stream.linear.scatter [tilespmem:s24], [sflag:$0xB], $0x4000, $0x38;
	[tilespmem:$0x14500] =	vst v63  }
0x2e: {  	_ =	swait.ge [sflag:s4], $0x4000  }
0x2f: {  	[sflag:s4] =	ssyncset.done $0x0  }
0x30: {  	[sflag:s4] =	ssyncadd.s32 $0xFFFFC000  }
0x31: {  	[hbm4b:s17+s3] =	stream.linear.scatter [tilespmem:s25], [sflag:$0xB], $0x4000, $0x38;
	[tilespmem:$0x14500] =	vst v63  }
0x32: {  	_ =	swait.ge [sflag:s5], $0x4000  }
0x33: {  	[sflag:s5] =	ssyncset.done $0x0  }
0x34: {  	[sflag:s5] =	ssyncadd.s32 $0xFFFFC000  }
0x35: {  	[hbm4b:s18+s3] =	stream.linear.scatter [tilespmem:s28], [sflag:$0xB], $0x4000, $0x38;
	[tilespmem:$0x14500] =	vst v63  }
0x36: {  	_ =	swait.ge [sflag:s6], $0x4000  }
0x37: {  	[sflag:s6] =	ssyncset.done $0x0  }
0x38: {  	[sflag:s6] =	ssyncadd.s32 $0xFFFFC000  }
0x39: {  	[hbm4b:s19+s3] =	stream.linear.scatter [tilespmem:s30], [sflag:$0xB], $0x4000, $0x38;
	[tilespmem:$0x14500] =	vst v63  }
0x3a: {  	_ =	swait.ge [sflag:s7], $0x3000  }
0x3b: {  	[sflag:s7] =	ssyncset.done $0x0  }
0x3c: {  	[sflag:s7] =	ssyncadd.s32 $0xFFFFD000  }
0x3d: {  	[hbm4b:s20+s3] =	stream.linear.scatter [tilespmem:s2], [sflag:$0xB], $0x3000, $0x38;
	[tilespmem:$0x14500] =	vst v63  }
0x3e: {  	_ =	swait.ge [sflag:s8], $0x4000  }
0x3f: {  	[sflag:s8] =	ssyncset.done $0x0  }
0x40: {  	[sflag:s8] =	ssyncadd.s32 $0xFFFFC000  }
0x41: {  	_ =	swait.ge [sflag:s8], $0x4000  }
0x42: {  	[sflag:s8] =	ssyncset.done $0x0  }
0x43: {  	[sflag:s8] =	ssyncadd.s32 $0xFFFFC000  }
0x44: {  	_ =	swait.ge [sflag:s8], $0x4000  }
0x45: {  	[sflag:s8] =	ssyncset.done $0x0  }
0x46: {  	[sflag:s8] =	ssyncadd.s32 $0xFFFFC000  }
0x47: {  	_ =	swait.ge [sflag:s8], $0x4000  }
0x48: {  	[sflag:s8] =	ssyncset.done $0x0  }
0x49: {  	[sflag:s8] =	ssyncadd.s32 $0xFFFFC000  }
0x4a: {  	_ =	swait.ge [sflag:s8], $0x3000  }
0x4b: {  	[sflag:s8] =	ssyncset.done $0x0  }
0x4c: {  	[sflag:s8] =	ssyncadd.s32 $0xFFFFD000  }
.LBB2_4:
0x4d: {  	s21 =	sadd.s32 $0xFFFFFFFF, s21  }
0x4e: {  	p1 =	sne.s32 s21, $0x0  }
.Ltmp1:
0x4f: {  	_ = 	snop;
	(pc) =	sbr.rel @!p1 .LBB2_5-.Ltmp1, $1  }
0x50: {  	_ =	sdelay $0x3  }
.LBB2_1:
.Ltmp2:
0x51: {  	(pc) =	sbr.rel @p0 .LBB2_3-.Ltmp2, $1  }
0x52: {  	_ =	sdelay $0x3  }
0x53: {  	s14 =	rddreg [dreg:$0x3]  }
0x54: {  	[tilespmem:s3], [sflag:$0xC] =	stream.linear.gather [hbm4b:s14+s3], $0x4B0, $0x38;
	[tilespmem:$0x14500] =	vst v63  }
0x55: {  	_ =	swait.ge [sflag:s22], $0x4B0  }
0x56: {  	[sflag:s22] =	ssyncset.done $0x0  }
0x57: {  	[sflag:s22] =	ssyncadd.s32 $0xFFFFFB50  }
0x58: {  	[tilespmem:s24], [sflag:$0x1] =	stream.indirect.gather [hbm4b:s1+s23], $0x80, s3, s23, $0xb8;
	[tilespmem:$0x14500] =	vst v63  }
0x59: {  	_ = 	snop  }
0x5a: {  	[tilespmem:s25], [sflag:$0x2] =	stream.indirect.gather [hbm4b:s1+s23], $0x80, s23, s23, $0xb8;
	[tilespmem:$0x14500] =	vst v63  }
0x5b: {  	_ = 	snop  }
0x5c: {  	[tilespmem:s28], [sflag:$0x3] =	stream.indirect.gather [hbm4b:s1+s23], $0x80, s26, s23, $0xb8;
	[tilespmem:$0x14500] =	vst v63  }
0x5d: {  	_ = 	snop  }
0x5e: {  	[tilespmem:s30], [sflag:$0x4] =	stream.indirect.gather [hbm4b:s1+s23], $0x80, s29, s23, $0xb8;
	[tilespmem:$0x14500] =	vst v63  }
0x5f: {  	_ = 	snop  }
0x60: {  	[tilespmem:s2], [sflag:$0x5] =	stream.indirect.gather [hbm4b:s1+s23], $0x80, s0, s23, $0xb8;
	[tilespmem:$0x14500] =	vst v63  }
0x61: {  	_ =	swait.ge [sflag:s31], $0x4000  }
0x62: {  	[sflag:s31] =	ssyncset.done $0x0  }
0x63: {  	s14 =	rddreg [dreg:$0x4];
	[sflag:s31] =	ssyncadd.s32 $0xFFFFC000  }
0x64: {  	[hbm4b:s14+s3] =	stream.linear.scatter [tilespmem:s24], [sflag:$0x6], $0x4000, $0x38;
	[tilespmem:$0x14500] =	vst v63  }
0x65: {  	_ =	swait.ge [sflag:s9], $0x4000  }
0x66: {  	[sflag:s9] =	ssyncset.done $0x0  }
0x67: {  	s14 =	simm.s32 $0x280;
	[sflag:s9] =	ssyncadd.s32 $0xFFFFC000  }
0x68: {  	[tilespmem:s24], [sflag:$0x1] =	stream.indirect.gather [hbm4b:s1+s23], $0x80, s14, s23, $0xb8;
	[tilespmem:$0x14500] =	vst v63  }
0x69: {  	_ =	swait.ge [sflag:s4], $0x4000  }
0x6a: {  	[sflag:s4] =	ssyncset.done $0x0  }
0x6b: {  	s14 =	rddreg [dreg:$0x5];
	[sflag:s4] =	ssyncadd.s32 $0xFFFFC000  }
0x6c: {  	[hbm4b:s14+s3] =	stream.linear.scatter [tilespmem:s25], [sflag:$0x7], $0x4000, $0x38;
	[tilespmem:$0x14500] =	vst v63  }
0x6d: {  	_ =	swait.ge [sflag:s10], $0x4000  }
0x6e: {  	[sflag:s10] =	ssyncset.done $0x0  }
0x6f: {  	s14 =	simm.s32 $0x300;
	[sflag:s10] =	ssyncadd.s32 $0xFFFFC000  }
0x70: {  	[tilespmem:s25], [sflag:$0x2] =	stream.indirect.gather [hbm4b:s1+s23], $0x80, s14, s23, $0xb8;
	[tilespmem:$0x14500] =	vst v63  }
0x71: {  	_ =	swait.ge [sflag:s5], $0x4000  }
0x72: {  	[sflag:s5] =	ssyncset.done $0x0  }
0x73: {  	s14 =	rddreg [dreg:$0x6];
	[sflag:s5] =	ssyncadd.s32 $0xFFFFC000  }
0x74: {  	[hbm4b:s14+s3] =	stream.linear.scatter [tilespmem:s28], [sflag:$0x8], $0x4000, $0x38;
	[tilespmem:$0x14500] =	vst v63  }
0x75: {  	_ =	swait.ge [sflag:s11], $0x4000  }
0x76: {  	[sflag:s11] =	ssyncset.done $0x0  }
0x77: {  	s14 =	simm.s32 $0x380;
	[sflag:s11] =	ssyncadd.s32 $0xFFFFC000  }
0x78: {  	[tilespmem:s28], [sflag:$0x3] =	stream.indirect.gather [hbm4b:s1+s23], $0x80, s14, s23, $0xb8;
	[tilespmem:$0x14500] =	vst v63  }
0x79: {  	_ =	swait.ge [sflag:s6], $0x4000  }
0x7a: {  	[sflag:s6] =	ssyncset.done $0x0  }
0x7b: {  	s14 =	rddreg [dreg:$0x7];
	[sflag:s6] =	ssyncadd.s32 $0xFFFFC000  }
0x7c: {  	[hbm4b:s14+s3] =	stream.linear.scatter [tilespmem:s30], [sflag:$0x9], $0x4000, $0x38;
	[tilespmem:$0x14500] =	vst v63  }
0x7d: {  	_ =	swait.ge [sflag:s12], $0x4000  }
0x7e: {  	[sflag:s12] =	ssyncset.done $0x0  }
0x7f: {  	s14 =	simm.s32 $0x400;
	[sflag:s12] =	ssyncadd.s32 $0xFFFFC000  }
0x80: {  	[tilespmem:s30], [sflag:$0x4] =	stream.indirect.gather [hbm4b:s1+s23], $0x80, s14, s23, $0xb8;
	[tilespmem:$0x14500] =	vst v63  }
0x81: {  	_ =	swait.ge [sflag:s7], $0x4000  }
0x82: {  	[sflag:s7] =	ssyncset.done $0x0  }
0x83: {  	s14 =	rddreg [dreg:$0x8];
	[sflag:s7] =	ssyncadd.s32 $0xFFFFC000  }
0x84: {  	[hbm4b:s14+s3] =	stream.linear.scatter [tilespmem:s2], [sflag:$0xA], $0x4000, $0x38;
	[tilespmem:$0x14500] =	vst v63  }
0x85: {  	_ =	swait.ge [sflag:s13], $0x4000  }
0x86: {  	[sflag:s13] =	ssyncset.done $0x0  }
0x87: {  	s14 =	simm.s32 $0x30;
	[sflag:s13] =	ssyncadd.s32 $0xFFFFC000  }
0x88: {  	[tilespmem:s2], [sflag:$0x5] =	stream.indirect.gather [hbm4b:s1+s14], $0x80, s15, s14, $0xb8;
	[tilespmem:$0x14500] =	vst v63  }
0x89: {  	_ =	swait.ge [sflag:s31], $0x4000  }
0x8a: {  	[sflag:s31] =	ssyncset.done $0x0  }
0x8b: {  	s14 =	rddreg [dreg:$0x9];
	[sflag:s31] =	ssyncadd.s32 $0xFFFFC000  }
0x8c: {  	[hbm4b:s14+s3] =	stream.linear.scatter [tilespmem:s24], [sflag:$0x6], $0x4000, $0x38;
	[tilespmem:$0x14500] =	vst v63  }
0x8d: {  	_ =	swait.ge [sflag:s4], $0x4000  }
0x8e: {  	[sflag:s4] =	ssyncset.done $0x0  }
0x8f: {  	s14 =	rddreg [dreg:$0xa];
	[sflag:s4] =	ssyncadd.s32 $0xFFFFC000  }
0x90: {  	[hbm4b:s14+s3] =	stream.linear.scatter [tilespmem:s25], [sflag:$0x7], $0x4000, $0x38;
	[tilespmem:$0x14500] =	vst v63  }
0x91: {  	_ =	swait.ge [sflag:s5], $0x4000  }
0x92: {  	[sflag:s5] =	ssyncset.done $0x0  }
0x93: {  	s14 =	rddreg [dreg:$0xb];
	[sflag:s5] =	ssyncadd.s32 $0xFFFFC000  }
0x94: {  	[hbm4b:s14+s3] =	stream.linear.scatter [tilespmem:s28], [sflag:$0x8], $0x4000, $0x38;
	[tilespmem:$0x14500] =	vst v63  }
0x95: {  	_ =	swait.ge [sflag:s6], $0x4000  }
0x96: {  	[sflag:s6] =	ssyncset.done $0x0  }
0x97: {  	s14 =	rddreg [dreg:$0xc];
	[sflag:s6] =	ssyncadd.s32 $0xFFFFC000  }
0x98: {  	[hbm4b:s14+s3] =	stream.linear.scatter [tilespmem:s30], [sflag:$0x9], $0x4000, $0x38;
	[tilespmem:$0x14500] =	vst v63  }
0x99: {  	_ =	swait.ge [sflag:s7], $0x1800  }
0x9a: {  	[sflag:s7] =	ssyncset.done $0x0  }
0x9b: {  	s14 =	rddreg [dreg:$0xd];
	[sflag:s7] =	ssyncadd.s32 $0xFFFFE800  }
0x9c: {  	[hbm4b:s14+s3] =	stream.linear.scatter [tilespmem:s2], [sflag:$0xA], $0x1800, $0x38;
	[tilespmem:$0x14500] =	vst v63  }
0x9d: {  	_ =	swait.ge [sflag:s9], $0x4000  }
0x9e: {  	[sflag:s9] =	ssyncset.done $0x0  }
0x9f: {  	[sflag:s9] =	ssyncadd.s32 $0xFFFFC000  }
0xa0: {  	_ =	swait.ge [sflag:s10], $0x4000  }
0xa1: {  	[sflag:s10] =	ssyncset.done $0x0  }
0xa2: {  	[sflag:s10] =	ssyncadd.s32 $0xFFFFC000  }
0xa3: {  	_ =	swait.ge [sflag:s11], $0x4000  }
0xa4: {  	[sflag:s11] =	ssyncset.done $0x0  }
0xa5: {  	[sflag:s11] =	ssyncadd.s32 $0xFFFFC000  }
0xa6: {  	_ =	swait.ge [sflag:s12], $0x4000  }
.Ltmp3:
0xa7: {  	[sflag:s12] =	ssyncset.done $0x0;
	(pc) =	sbr.rel .LBB2_4-.Ltmp3, $4  }
0xa8: {  	[sflag:s12] =	ssyncadd.s32 $0xFFFFC000  }
0xa9: {  	_ =	swait.ge [sflag:s13], $0x1800  }
0xaa: {  	[sflag:s13] =	ssyncset.done $0x0  }
0xab: {  	[sflag:s13] =	ssyncadd.s32 $0xFFFFE800  }
.LBB2_5:
0xac: {  	_ =	sfence.sel $0x180000  }
0xad: {  	[bflag:$0x0] =	sbarrier.arrive $0xFFFF  }
0xae: {  	_ =	strace $0x90000047  }
0xaf: {  	s0 =	stileid.u32;
	[bflag:$0x2] =	sbarrier.arrive $0xFFFF  }
0xb0: {  	p0 =	sne.s32 s0, $0x0;
	s0 =	rddreg [dreg:$0x2]  }
0xb1: {  	s0 =	sadd.s32 @!p0 $0x100000, s0  }
0xb2: {  	[sflag:s0] =	ssyncadd.tile.s32 @!p0 $0x1;
	_ =	shalt  }
.Lfunc_end2:
_tile_overlayer_lowered:
.L_overlay_start_2:
0xb3: {  	(tag) =	ssettag $0x2  }
0xb4: {  	s0 =	rddreg [dreg:$0x0];
	s2 =	stileid.u32  }
0xb5: {  	s1 =	rddreg [dreg:$0x1];
	p0 =	sne.s32 s2, $0x0  }
0xb6: {  	s3 =	rddreg [dreg:$0x2];
	[bflag:$0x3] =	sbarrier.arrive $0xFFFF;
	s2 =	simm.s32 @!p0 $0x1C0C  }
0xb7: {  	[timem:s3], [sflag:s2] =	dma.local @!p0 [hbm:s0], s1  }
0xb8: {  	s0 =	simm.s32 @!p0 $0xC  }
0xb9: {  	_ =	swait.ge @!p0 [sflag:s0], s1  }
0xba: {  	s1 =	ssub.s32 @!p0 $0x0, s1;
	[sflag:s0] =	ssyncset.done @!p0 $0x0  }
0xbb: {  	[sflag:s0] =	ssyncadd.s32 @!p0 s1  }
0xbc: {  	[bflag:$0x3] =	sbarrier.arrive $0xFFFF  }
0xbd: {  	_ =	shalt  }

</sc_bundles>
